<compile_context>
chip_gen: v7x
topology: tpu7x:2x2x1
jax: 0.10.2.dev20260603
libtpu: 0.0.44.dev20260713+nightly
codegen_flags: <defaults>
</compile_context>

<pallas_src>
import functools

import numpy as np
import jax
import jax.numpy as jnp
from jax import lax
from jax.experimental import pallas as pl
from jax.experimental.pallas import tpu as pltpu
from jax.experimental.pallas import tpu_sc as plsc

D = 8
NBLADES = 256
BATCH = 1024
NTILES = 32
COLS = BATCH // NTILES


def _popcount(x: int) -> int:
    return bin(x).count("1")


_ORDER = sorted(
    range(NBLADES),
    key=lambda m: (_popcount(m), tuple(i for i in range(D) if (m >> i) & 1)),
)

_I2 = np.eye(2)
_X = np.array([[0.0, 1.0], [1.0, 0.0]])
_Z = np.array([[1.0, 0.0], [0.0, -1.0]])
_C = _X @ _Z
_FACT = {0: _I2, 1: _X, 2: _Z, 3: _C}
_GENS = [
    (0, 0, 0, 0, 1), (0, 0, 0, 0, 2), (0, 0, 0, 3, 3), (0, 0, 3, 1, 3),
    (0, 1, 3, 2, 3), (0, 2, 3, 2, 3), (0, 3, 0, 2, 3), (3, 3, 1, 1, 3),
]


def _kron5(u):
    m = _FACT[u[0]]
    for k in u[1:]:
        m = np.kron(m, _FACT[k])
    return m


_G = [_kron5(u) for u in _GENS]
for _i, _g in enumerate(_G):
    assert np.allclose(_g @ _g, (1.0 if _i < 7 else -1.0) * np.eye(32))
    for _j in range(_i):
        assert np.allclose(_g @ _G[_j], -_G[_j] @ _g)

_R = [None] * NBLADES
_R[0] = np.eye(32)
for _m in range(1, NBLADES):
    _h = _m.bit_length() - 1
    _R[_m] = _R[_m ^ (1 << _h)] @ _G[_h]

_SEL = [0, 1, 2, 3, 8, 9, 10, 11]
_F = np.zeros((256, 256))
for _c in range(NBLADES):
    _F[:, _c] = _R[_c][:, _SEL].reshape(-1)
_FINV_MASK = np.linalg.inv(_F)
_FINV_MASK = np.round(_FINV_MASK * 8.0) / 8.0

_EA = np.zeros((256, 1024), dtype=np.float32)
_EB = np.zeros((256, 256), dtype=np.float32)
_FINV = np.zeros((256, 256), dtype=np.float32)
for _ib in range(NBLADES):
    _m = _ORDER[_ib]
    _EA[_ib, :] = _R[_m].reshape(-1)
    _EB[_ib, :] = _R[_m][:, _SEL].reshape(-1)
    _FINV[_ib, :] = _FINV_MASK[_m, :]

_mesh = plsc.VectorSubcoreMesh(core_axis_name="c", subcore_axis_name="s")


@functools.partial(
    pl.kernel,
    out_type=jax.ShapeDtypeStruct((NBLADES, BATCH), jnp.float32),
    mesh=_mesh,
    scratch_types=[
        pltpu.VMEM((1024, COLS), jnp.float32),
        pltpu.VMEM((256, COLS), jnp.float32),
        pltpu.VMEM((256, COLS), jnp.float32),
        pltpu.SemaphoreType.DMA,
    ],
    compiler_params=pltpu.CompilerParams(
        use_tc_tiling_on_sc=False, needs_layout_passes=False),
)
def _gp_sc(af_hbm, bs_hbm, out_hbm, af_v, bs_v, o_v, sem):
    wid = lax.axis_index("s") * 2 + lax.axis_index("c")
    c0 = wid * COLS

    cp_a = pltpu.async_copy(af_hbm.at[:, pl.ds(c0, COLS)], af_v, sem)
    cp_b = pltpu.async_copy(bs_hbm.at[:, pl.ds(c0, COLS)], bs_v, sem)
    cp_a.wait()
    cp_b.wait()

    for g in range(2):
        col = g * 16

        def ib_body(ib, carry, col=col):
            i0 = ib * 4

            def j_body(j, accs, i0=i0, col=col):
                avs = [af_v[(i0 + u) * 32 + j, pl.ds(col, 16)]
                       for u in range(4)]
                bvs = [bs_v[j * 8 + s, pl.ds(col, 16)] for s in range(8)]
                new = list(accs)
                for u in range(4):
                    for s in range(8):
                        new[u * 8 + s] = new[u * 8 + s] + avs[u] * bvs[s]
                return tuple(new)

            accs0 = tuple(jnp.zeros((16,), jnp.float32) for _ in range(32))
            accs = lax.fori_loop(0, 32, j_body, accs0)
            for u in range(4):
                for s in range(8):
                    o_v[(i0 + u) * 8 + s, pl.ds(col, 16)] = accs[u * 8 + s]
            return carry

        lax.fori_loop(0, 8, ib_body, 0)

    pltpu.sync_copy(o_v, out_hbm.at[:, pl.ds(c0, COLS)])


def kernel(a, b):
    af = jnp.einsum("nc,cs->sn", a, _EA, preferred_element_type=jnp.float32)
    bs = jnp.einsum("nc,cs->sn", b, _EB, preferred_element_type=jnp.float32)
    rsel = _gp_sc(af, bs)
    return jnp.einsum("sn,cs->nc", rsel, _FINV,
                      preferred_element_type=jnp.float32)

# --- scband reference (transcript-rebuilt; emitter-appended) ---
"""Pipeline reference for scband-runtime-cgaalgebra-74483322847653 (READ-ONLY COPY).

The authoritative reference and input builder live on the scoring server;
editing this copy changes nothing except your own understanding.
"""

import jax, jax.numpy as jnp
import numpy as np

EUCLIDEAN_DIM = 6
D = EUCLIDEAN_DIM + 2
N_BLADES = 1 << D
METRIC = [1] * (EUCLIDEAN_DIM + 1) + [-1]


def _popcount(x):
    return bin(x).count('1')


def _blade_tuple(m):
    return tuple(i for i in range(D) if (m >> i) & 1)


# clifford-style blade ordering: by grade, then lexicographic within grade
_ORDER = sorted(range(N_BLADES), key=lambda m: (_popcount(m), _blade_tuple(m)))
_MASK_TO_IDX = {m: i for i, m in enumerate(_ORDER)}


def _gp_sign(a, b):
    sign = 1
    a_ = a >> 1
    while a_:
        if _popcount(a_ & b) & 1:
            sign = -sign
        a_ >>= 1
    common = a & b
    for i in range(D):
        if (common >> i) & 1:
            sign *= METRIC[i]
    return sign


_left, _right, _res, _sgn = [], [], [], []
for ia, ma in enumerate(_ORDER):
    for ib, mb in enumerate(_ORDER):
        s = _gp_sign(ma, mb)
        if s != 0:
            _left.append(ia)
            _right.append(ib)
            _res.append(_MASK_TO_IDX[ma ^ mb])
            _sgn.append(float(s))

LEFT_IDX = jnp.asarray(np.array(_left, dtype=np.int32))
RIGHT_IDX = jnp.asarray(np.array(_right, dtype=np.int32))
RESULT_IDX = jnp.asarray(np.array(_res, dtype=np.int32))
SIGNS = jnp.asarray(np.array(_sgn, dtype=np.float32))

BATCH = 1024


def setup_inputs(seed: int = 0) -> dict:
    key = jax.random.key(seed)
    k1, k2 = jax.random.split(key)
    a = jax.random.normal(k1, (BATCH, N_BLADES), dtype=jnp.float32)
    b = jax.random.normal(k2, (BATCH, N_BLADES), dtype=jnp.float32)
    return {'a': a, 'b': b}


def reference(a, b):
    # geometric_product_full: gather both operands along the sparse Cayley
    # table, multiply with signs, scatter-add into result blades.
    a_vals = a[..., LEFT_IDX]
    b_vals = b[..., RIGHT_IDX]
    products = SIGNS * a_vals * b_vals
    batch_shape = a.shape[:-1]
    result = jnp.zeros(batch_shape + (N_BLADES,), dtype=a.dtype)
    result = result.at[..., RESULT_IDX].add(products)
    return result

if __name__ == "__main__":
    import jax
    _d = setup_inputs()
    print(jax.jit(kernel)(*tuple(_d.values())))

</pallas_src>

<mosaic_0001>
#map = affine_map<(d0, d1) -> (0, 0)>
module attributes {stable_mosaic.version = 14 : i64} {
  func.func @_gp_sc(%arg0: i32, %arg1: i32, %arg2: memref<1024x1024xf32, #tpu.memory_space<hbm>>, %arg3: memref<256x1024xf32, #tpu.memory_space<hbm>>, %arg4: memref<256x1024xf32, #tpu.memory_space<hbm>>, %arg5: memref<1024x32xf32, #tpu.memory_space<vmem>>, %arg6: memref<256x32xf32, #tpu.memory_space<vmem>>, %arg7: memref<256x32xf32, #tpu.memory_space<vmem>>, %arg8: memref<!tpu.dma_semaphore, #tpu.memory_space<semaphore_mem>>) attributes {dimension_semantics = [#tpu.dimension_semantics<core_parallel>, #tpu.dimension_semantics<subcore_parallel>], iteration_bounds = array<i64: 2, 16>, scalar_prefetch = 0 : i64, scratch_operands = 4 : i64, tpu.core_type = #tpu.core_type<sc_vector_subcore>, window_params = [{transform_indices = #map}, {transform_indices = #map}, {transform_indices = #map}]} {
    %mul3A = arith.constant 2 : i32
    %mul3A_0 = arith.muli %arg1, %mul3A : i32
    %add3A = arith.addi %mul3A_0, %arg0 : i32
    %mul3A_1 = arith.constant 32 : i32
    %mul3A_2 = arith.muli %add3A, %mul3A_1 : i32
    %dma_start3A = arith.constant 0 : i32
    %dma_start3A_3 = tpu.memref_slice %arg2[%dma_start3A, %mul3A_2] : memref<1024x1024xf32, #tpu.memory_space<hbm>> -> memref<1024x32xf32, #tpu.memory_space<hbm>>
    %dma_start3A_4 = arith.constant 0 : i32
    %dma_start3A_5 = tpu.memref_slice %arg2[%dma_start3A_4, %mul3A_2] : memref<1024x1024xf32, #tpu.memory_space<hbm>> -> memref<1024x32xf32, #tpu.memory_space<hbm>>
    tpu.enqueue_dma source(%dma_start3A_5 : memref<1024x32xf32, #tpu.memory_space<hbm>>) target(%arg5 : memref<1024x32xf32, #tpu.memory_space<vmem>>) target_semaphore(%arg8 : memref<!tpu.dma_semaphore, #tpu.memory_space<semaphore_mem>>)
    %dma_start3A_6 = arith.constant 0 : i32
    %dma_start3A_7 = tpu.memref_slice %arg3[%dma_start3A_6, %mul3A_2] : memref<256x1024xf32, #tpu.memory_space<hbm>> -> memref<256x32xf32, #tpu.memory_space<hbm>>
    %dma_start3A_8 = arith.constant 0 : i32
    %dma_start3A_9 = tpu.memref_slice %arg3[%dma_start3A_8, %mul3A_2] : memref<256x1024xf32, #tpu.memory_space<hbm>> -> memref<256x32xf32, #tpu.memory_space<hbm>>
    tpu.enqueue_dma source(%dma_start3A_9 : memref<256x32xf32, #tpu.memory_space<hbm>>) target(%arg6 : memref<256x32xf32, #tpu.memory_space<vmem>>) target_semaphore(%arg8 : memref<!tpu.dma_semaphore, #tpu.memory_space<semaphore_mem>>)
    %dma_wait3A = arith.constant 0 : i32
    %dma_wait3A_10 = tpu.memref_slice %arg2[%dma_wait3A, %mul3A_2] : memref<1024x1024xf32, #tpu.memory_space<hbm>> -> memref<1024x32xf32, #tpu.memory_space<hbm>>
    %dma_wait3A_11 = arith.constant 0 : i32
    %dma_wait3A_12 = tpu.memref_slice %arg2[%dma_wait3A_11, %mul3A_2] : memref<1024x1024xf32, #tpu.memory_space<hbm>> -> memref<1024x32xf32, #tpu.memory_space<hbm>>
    tpu.wait_dma2 semaphore(%arg8 : memref<!tpu.dma_semaphore, #tpu.memory_space<semaphore_mem>>) src(%dma_wait3A_12 : memref<1024x32xf32, #tpu.memory_space<hbm>>) dst(%arg5 : memref<1024x32xf32, #tpu.memory_space<vmem>>)
    %dma_wait3A_13 = arith.constant 0 : i32
    %dma_wait3A_14 = tpu.memref_slice %arg3[%dma_wait3A_13, %mul3A_2] : memref<256x1024xf32, #tpu.memory_space<hbm>> -> memref<256x32xf32, #tpu.memory_space<hbm>>
    %dma_wait3A_15 = arith.constant 0 : i32
    %dma_wait3A_16 = tpu.memref_slice %arg3[%dma_wait3A_15, %mul3A_2] : memref<256x1024xf32, #tpu.memory_space<hbm>> -> memref<256x32xf32, #tpu.memory_space<hbm>>
    tpu.wait_dma2 semaphore(%arg8 : memref<!tpu.dma_semaphore, #tpu.memory_space<semaphore_mem>>) src(%dma_wait3A_16 : memref<256x32xf32, #tpu.memory_space<hbm>>) dst(%arg6 : memref<256x32xf32, #tpu.memory_space<vmem>>)
    %scan3A = arith.constant 0 : i32
    %scan3A_17 = arith.constant 0 : i32
    %scan3A_18 = arith.constant 8 : i32
    %scan3A_19 = arith.addi %scan3A_17, %scan3A_18 : i32
    %scan3A_20 = arith.constant 1 : i32
    scf.for %scan3A_28 = %scan3A_17 to %scan3A_19 step %scan3A_20  : i32 {
      %mul3A_29 = arith.constant 4 : i32
      %mul3A_30 = arith.muli %scan3A_28, %mul3A_29 : i32
      %broadcast_in_dim3A = arith.constant 0.000000e+00 : f32
      %broadcast_in_dim3A_31 = vector.broadcast %broadcast_in_dim3A : f32 to vector<16xf32>
      %broadcast_in_dim3A_32 = arith.constant 0.000000e+00 : f32
      %broadcast_in_dim3A_33 = vector.broadcast %broadcast_in_dim3A_32 : f32 to vector<16xf32>
      %broadcast_in_dim3A_34 = arith.constant 0.000000e+00 : f32
      %broadcast_in_dim3A_35 = vector.broadcast %broadcast_in_dim3A_34 : f32 to vector<16xf32>
      %broadcast_in_dim3A_36 = arith.constant 0.000000e+00 : f32
      %broadcast_in_dim3A_37 = vector.broadcast %broadcast_in_dim3A_36 : f32 to vector<16xf32>
      %broadcast_in_dim3A_38 = arith.constant 0.000000e+00 : f32
      %broadcast_in_dim3A_39 = vector.broadcast %broadcast_in_dim3A_38 : f32 to vector<16xf32>
      %broadcast_in_dim3A_40 = arith.constant 0.000000e+00 : f32
      %broadcast_in_dim3A_41 = vector.broadcast %broadcast_in_dim3A_40 : f32 to vector<16xf32>
      %broadcast_in_dim3A_42 = arith.constant 0.000000e+00 : f32
      %broadcast_in_dim3A_43 = vector.broadcast %broadcast_in_dim3A_42 : f32 to vector<16xf32>
      %broadcast_in_dim3A_44 = arith.constant 0.000000e+00 : f32
      %broadcast_in_dim3A_45 = vector.broadcast %broadcast_in_dim3A_44 : f32 to vector<16xf32>
      %broadcast_in_dim3A_46 = arith.constant 0.000000e+00 : f32
      %broadcast_in_dim3A_47 = vector.broadcast %broadcast_in_dim3A_46 : f32 to vector<16xf32>
      %broadcast_in_dim3A_48 = arith.constant 0.000000e+00 : f32
      %broadcast_in_dim3A_49 = vector.broadcast %broadcast_in_dim3A_48 : f32 to vector<16xf32>
      %broadcast_in_dim3A_50 = arith.constant 0.000000e+00 : f32
      %broadcast_in_dim3A_51 = vector.broadcast %broadcast_in_dim3A_50 : f32 to vector<16xf32>
      %broadcast_in_dim3A_52 = arith.constant 0.000000e+00 : f32
      %broadcast_in_dim3A_53 = vector.broadcast %broadcast_in_dim3A_52 : f32 to vector<16xf32>
      %broadcast_in_dim3A_54 = arith.constant 0.000000e+00 : f32
      %broadcast_in_dim3A_55 = vector.broadcast %broadcast_in_dim3A_54 : f32 to vector<16xf32>
      %broadcast_in_dim3A_56 = arith.constant 0.000000e+00 : f32
      %broadcast_in_dim3A_57 = vector.broadcast %broadcast_in_dim3A_56 : f32 to vector<16xf32>
      %broadcast_in_dim3A_58 = arith.constant 0.000000e+00 : f32
      %broadcast_in_dim3A_59 = vector.broadcast %broadcast_in_dim3A_58 : f32 to vector<16xf32>
      %broadcast_in_dim3A_60 = arith.constant 0.000000e+00 : f32
      %broadcast_in_dim3A_61 = vector.broadcast %broadcast_in_dim3A_60 : f32 to vector<16xf32>
      %broadcast_in_dim3A_62 = arith.constant 0.000000e+00 : f32
      %broadcast_in_dim3A_63 = vector.broadcast %broadcast_in_dim3A_62 : f32 to vector<16xf32>
      %broadcast_in_dim3A_64 = arith.constant 0.000000e+00 : f32
      %broadcast_in_dim3A_65 = vector.broadcast %broadcast_in_dim3A_64 : f32 to vector<16xf32>
      %broadcast_in_dim3A_66 = arith.constant 0.000000e+00 : f32
      %broadcast_in_dim3A_67 = vector.broadcast %broadcast_in_dim3A_66 : f32 to vector<16xf32>
      %broadcast_in_dim3A_68 = arith.constant 0.000000e+00 : f32
      %broadcast_in_dim3A_69 = vector.broadcast %broadcast_in_dim3A_68 : f32 to vector<16xf32>
      %broadcast_in_dim3A_70 = arith.constant 0.000000e+00 : f32
      %broadcast_in_dim3A_71 = vector.broadcast %broadcast_in_dim3A_70 : f32 to vector<16xf32>
      %broadcast_in_dim3A_72 = arith.constant 0.000000e+00 : f32
      %broadcast_in_dim3A_73 = vector.broadcast %broadcast_in_dim3A_72 : f32 to vector<16xf32>
      %broadcast_in_dim3A_74 = arith.constant 0.000000e+00 : f32
      %broadcast_in_dim3A_75 = vector.broadcast %broadcast_in_dim3A_74 : f32 to vector<16xf32>
      %broadcast_in_dim3A_76 = arith.constant 0.000000e+00 : f32
      %broadcast_in_dim3A_77 = vector.broadcast %broadcast_in_dim3A_76 : f32 to vector<16xf32>
      %broadcast_in_dim3A_78 = arith.constant 0.000000e+00 : f32
      %broadcast_in_dim3A_79 = vector.broadcast %broadcast_in_dim3A_78 : f32 to vector<16xf32>
      %broadcast_in_dim3A_80 = arith.constant 0.000000e+00 : f32
      %broadcast_in_dim3A_81 = vector.broadcast %broadcast_in_dim3A_80 : f32 to vector<16xf32>
      %broadcast_in_dim3A_82 = arith.constant 0.000000e+00 : f32
      %broadcast_in_dim3A_83 = vector.broadcast %broadcast_in_dim3A_82 : f32 to vector<16xf32>
      %broadcast_in_dim3A_84 = arith.constant 0.000000e+00 : f32
      %broadcast_in_dim3A_85 = vector.broadcast %broadcast_in_dim3A_84 : f32 to vector<16xf32>
      %broadcast_in_dim3A_86 = arith.constant 0.000000e+00 : f32
      %broadcast_in_dim3A_87 = vector.broadcast %broadcast_in_dim3A_86 : f32 to vector<16xf32>
      %broadcast_in_dim3A_88 = arith.constant 0.000000e+00 : f32
      %broadcast_in_dim3A_89 = vector.broadcast %broadcast_in_dim3A_88 : f32 to vector<16xf32>
      %broadcast_in_dim3A_90 = arith.constant 0.000000e+00 : f32
      %broadcast_in_dim3A_91 = vector.broadcast %broadcast_in_dim3A_90 : f32 to vector<16xf32>
      %broadcast_in_dim3A_92 = arith.constant 0.000000e+00 : f32
      %broadcast_in_dim3A_93 = vector.broadcast %broadcast_in_dim3A_92 : f32 to vector<16xf32>
      %scan3A_94 = arith.constant 0 : i32
      %scan3A_95 = arith.constant 32 : i32
      %scan3A_96 = arith.addi %scan3A_94, %scan3A_95 : i32
      %scan3A_97 = arith.constant 1 : i32
      %scan3A_98:32 = scf.for %scan3A_387 = %scan3A_94 to %scan3A_96 step %scan3A_97 iter_args(%scan3A_388 = %broadcast_in_dim3A_31, %scan3A_389 = %broadcast_in_dim3A_33, %scan3A_390 = %broadcast_in_dim3A_35, %scan3A_391 = %broadcast_in_dim3A_37, %scan3A_392 = %broadcast_in_dim3A_39, %scan3A_393 = %broadcast_in_dim3A_41, %scan3A_394 = %broadcast_in_dim3A_43, %scan3A_395 = %broadcast_in_dim3A_45, %scan3A_396 = %broadcast_in_dim3A_47, %scan3A_397 = %broadcast_in_dim3A_49, %scan3A_398 = %broadcast_in_dim3A_51, %scan3A_399 = %broadcast_in_dim3A_53, %scan3A_400 = %broadcast_in_dim3A_55, %scan3A_401 = %broadcast_in_dim3A_57, %scan3A_402 = %broadcast_in_dim3A_59, %scan3A_403 = %broadcast_in_dim3A_61, %scan3A_404 = %broadcast_in_dim3A_63, %scan3A_405 = %broadcast_in_dim3A_65, %scan3A_406 = %broadcast_in_dim3A_67, %scan3A_407 = %broadcast_in_dim3A_69, %scan3A_408 = %broadcast_in_dim3A_71, %scan3A_409 = %broadcast_in_dim3A_73, %scan3A_410 = %broadcast_in_dim3A_75, %scan3A_411 = %broadcast_in_dim3A_77, %scan3A_412 = %broadcast_in_dim3A_79, %scan3A_413 = %broadcast_in_dim3A_81, %scan3A_414 = %broadcast_in_dim3A_83, %scan3A_415 = %broadcast_in_dim3A_85, %scan3A_416 = %broadcast_in_dim3A_87, %scan3A_417 = %broadcast_in_dim3A_89, %scan3A_418 = %broadcast_in_dim3A_91, %scan3A_419 = %broadcast_in_dim3A_93) -> (vector<16xf32>, vector<16xf32>, vector<16xf32>, vector<16xf32>, vector<16xf32>, vector<16xf32>, vector<16xf32>, vector<16xf32>, vector<16xf32>, vector<16xf32>, vector<16xf32>, vector<16xf32>, vector<16xf32>, vector<16xf32>, vector<16xf32>, vector<16xf32>, vector<16xf32>, vector<16xf32>, vector<16xf32>, vector<16xf32>, vector<16xf32>, vector<16xf32>, vector<16xf32>, vector<16xf32>, vector<16xf32>, vector<16xf32>, vector<16xf32>, vector<16xf32>, vector<16xf32>, vector<16xf32>, vector<16xf32>, vector<16xf32>)  : i32 {
        %add3A_420 = arith.constant 0 : i32
        %add3A_421 = arith.addi %mul3A_30, %add3A_420 : i32
        %mul3A_422 = arith.constant 32 : i32
        %mul3A_423 = arith.muli %add3A_421, %mul3A_422 : i32
        %add3A_424 = arith.addi %mul3A_423, %scan3A_387 : i32
        %get3A = arith.index_cast %add3A_424 : i32 to index
        %get3A_425 = arith.constant 0 : index
        %get3A_426 = tpu.vector_load %arg5[%get3A, %get3A_425] {strides = array<i32>} : memref<1024x32xf32, #tpu.memory_space<vmem>>, vector<16xf32>,
        %add3A_427 = arith.constant 1 : i32
        %add3A_428 = arith.addi %mul3A_30, %add3A_427 : i32
        %mul3A_429 = arith.constant 32 : i32
        %mul3A_430 = arith.muli %add3A_428, %mul3A_429 : i32
        %add3A_431 = arith.addi %mul3A_430, %scan3A_387 : i32
        %get3A_432 = arith.index_cast %add3A_431 : i32 to index
        %get3A_433 = arith.constant 0 : index
        %get3A_434 = tpu.vector_load %arg5[%get3A_432, %get3A_433] {strides = array<i32>} : memref<1024x32xf32, #tpu.memory_space<vmem>>, vector<16xf32>,
        %add3A_435 = arith.constant 2 : i32
        %add3A_436 = arith.addi %mul3A_30, %add3A_435 : i32
        %mul3A_437 = arith.constant 32 : i32
        %mul3A_438 = arith.muli %add3A_436, %mul3A_437 : i32
        %add3A_439 = arith.addi %mul3A_438, %scan3A_387 : i32
        %get3A_440 = arith.index_cast %add3A_439 : i32 to index
        %get3A_441 = arith.constant 0 : index
        %get3A_442 = tpu.vector_load %arg5[%get3A_440, %get3A_441] {strides = array<i32>} : memref<1024x32xf32, #tpu.memory_space<vmem>>, vector<16xf32>,
        %add3A_443 = arith.constant 3 : i32
        %add3A_444 = arith.addi %mul3A_30, %add3A_443 : i32
        %mul3A_445 = arith.constant 32 : i32
        %mul3A_446 = arith.muli %add3A_444, %mul3A_445 : i32
        %add3A_447 = arith.addi %mul3A_446, %scan3A_387 : i32
        %get3A_448 = arith.index_cast %add3A_447 : i32 to index
        %get3A_449 = arith.constant 0 : index
        %get3A_450 = tpu.vector_load %arg5[%get3A_448, %get3A_449] {strides = array<i32>} : memref<1024x32xf32, #tpu.memory_space<vmem>>, vector<16xf32>,
        %mul3A_451 = arith.constant 8 : i32
        %mul3A_452 = arith.muli %scan3A_387, %mul3A_451 : i32
        %add3A_453 = arith.constant 0 : i32
        %add3A_454 = arith.addi %mul3A_452, %add3A_453 : i32
        %get3A_455 = arith.index_cast %add3A_454 : i32 to index
        %get3A_456 = arith.constant 0 : index
        %get3A_457 = tpu.vector_load %arg6[%get3A_455, %get3A_456] {strides = array<i32>} : memref<256x32xf32, #tpu.memory_space<vmem>>, vector<16xf32>,
        %mul3A_458 = arith.constant 8 : i32
        %mul3A_459 = arith.muli %scan3A_387, %mul3A_458 : i32
        %add3A_460 = arith.constant 1 : i32
        %add3A_461 = arith.addi %mul3A_459, %add3A_460 : i32
        %get3A_462 = arith.index_cast %add3A_461 : i32 to index
        %get3A_463 = arith.constant 0 : index
        %get3A_464 = tpu.vector_load %arg6[%get3A_462, %get3A_463] {strides = array<i32>} : memref<256x32xf32, #tpu.memory_space<vmem>>, vector<16xf32>,
        %mul3A_465 = arith.constant 8 : i32
        %mul3A_466 = arith.muli %scan3A_387, %mul3A_465 : i32
        %add3A_467 = arith.constant 2 : i32
        %add3A_468 = arith.addi %mul3A_466, %add3A_467 : i32
        %get3A_469 = arith.index_cast %add3A_468 : i32 to index
        %get3A_470 = arith.constant 0 : index
        %get3A_471 = tpu.vector_load %arg6[%get3A_469, %get3A_470] {strides = array<i32>} : memref<256x32xf32, #tpu.memory_space<vmem>>, vector<16xf32>,
        %mul3A_472 = arith.constant 8 : i32
        %mul3A_473 = arith.muli %scan3A_387, %mul3A_472 : i32
        %add3A_474 = arith.constant 3 : i32
        %add3A_475 = arith.addi %mul3A_473, %add3A_474 : i32
        %get3A_476 = arith.index_cast %add3A_475 : i32 to index
        %get3A_477 = arith.constant 0 : index
        %get3A_478 = tpu.vector_load %arg6[%get3A_476, %get3A_477] {strides = array<i32>} : memref<256x32xf32, #tpu.memory_space<vmem>>, vector<16xf32>,
        %mul3A_479 = arith.constant 8 : i32
        %mul3A_480 = arith.muli %scan3A_387, %mul3A_479 : i32
        %add3A_481 = arith.constant 4 : i32
        %add3A_482 = arith.addi %mul3A_480, %add3A_481 : i32
        %get3A_483 = arith.index_cast %add3A_482 : i32 to index
        %get3A_484 = arith.constant 0 : index
        %get3A_485 = tpu.vector_load %arg6[%get3A_483, %get3A_484] {strides = array<i32>} : memref<256x32xf32, #tpu.memory_space<vmem>>, vector<16xf32>,
        %mul3A_486 = arith.constant 8 : i32
        %mul3A_487 = arith.muli %scan3A_387, %mul3A_486 : i32
        %add3A_488 = arith.constant 5 : i32
        %add3A_489 = arith.addi %mul3A_487, %add3A_488 : i32
        %get3A_490 = arith.index_cast %add3A_489 : i32 to index
        %get3A_491 = arith.constant 0 : index
        %get3A_492 = tpu.vector_load %arg6[%get3A_490, %get3A_491] {strides = array<i32>} : memref<256x32xf32, #tpu.memory_space<vmem>>, vector<16xf32>,
        %mul3A_493 = arith.constant 8 : i32
        %mul3A_494 = arith.muli %scan3A_387, %mul3A_493 : i32
        %add3A_495 = arith.constant 6 : i32
        %add3A_496 = arith.addi %mul3A_494, %add3A_495 : i32
        %get3A_497 = arith.index_cast %add3A_496 : i32 to index
        %get3A_498 = arith.constant 0 : index
        %get3A_499 = tpu.vector_load %arg6[%get3A_497, %get3A_498] {strides = array<i32>} : memref<256x32xf32, #tpu.memory_space<vmem>>, vector<16xf32>,
        %mul3A_500 = arith.constant 8 : i32
        %mul3A_501 = arith.muli %scan3A_387, %mul3A_500 : i32
        %add3A_502 = arith.constant 7 : i32
        %add3A_503 = arith.addi %mul3A_501, %add3A_502 : i32
        %get3A_504 = arith.index_cast %add3A_503 : i32 to index
        %get3A_505 = arith.constant 0 : index
        %get3A_506 = tpu.vector_load %arg6[%get3A_504, %get3A_505] {strides = array<i32>} : memref<256x32xf32, #tpu.memory_space<vmem>>, vector<16xf32>,
        %mul3A_507 = arith.mulf %get3A_426, %get3A_457 : vector<16xf32>
        %add3A_508 = arith.addf %scan3A_388, %mul3A_507 : vector<16xf32>
        %mul3A_509 = arith.mulf %get3A_426, %get3A_464 : vector<16xf32>
        %add3A_510 = arith.addf %scan3A_389, %mul3A_509 : vector<16xf32>
        %mul3A_511 = arith.mulf %get3A_426, %get3A_471 : vector<16xf32>
        %add3A_512 = arith.addf %scan3A_390, %mul3A_511 : vector<16xf32>
        %mul3A_513 = arith.mulf %get3A_426, %get3A_478 : vector<16xf32>
        %add3A_514 = arith.addf %scan3A_391, %mul3A_513 : vector<16xf32>
        %mul3A_515 = arith.mulf %get3A_426, %get3A_485 : vector<16xf32>
        %add3A_516 = arith.addf %scan3A_392, %mul3A_515 : vector<16xf32>
        %mul3A_517 = arith.mulf %get3A_426, %get3A_492 : vector<16xf32>
        %add3A_518 = arith.addf %scan3A_393, %mul3A_517 : vector<16xf32>
        %mul3A_519 = arith.mulf %get3A_426, %get3A_499 : vector<16xf32>
        %add3A_520 = arith.addf %scan3A_394, %mul3A_519 : vector<16xf32>
        %mul3A_521 = arith.mulf %get3A_426, %get3A_506 : vector<16xf32>
        %add3A_522 = arith.addf %scan3A_395, %mul3A_521 : vector<16xf32>
        %mul3A_523 = arith.mulf %get3A_434, %get3A_457 : vector<16xf32>
        %add3A_524 = arith.addf %scan3A_396, %mul3A_523 : vector<16xf32>
        %mul3A_525 = arith.mulf %get3A_434, %get3A_464 : vector<16xf32>
        %add3A_526 = arith.addf %scan3A_397, %mul3A_525 : vector<16xf32>
        %mul3A_527 = arith.mulf %get3A_434, %get3A_471 : vector<16xf32>
        %add3A_528 = arith.addf %scan3A_398, %mul3A_527 : vector<16xf32>
        %mul3A_529 = arith.mulf %get3A_434, %get3A_478 : vector<16xf32>
        %add3A_530 = arith.addf %scan3A_399, %mul3A_529 : vector<16xf32>
        %mul3A_531 = arith.mulf %get3A_434, %get3A_485 : vector<16xf32>
        %add3A_532 = arith.addf %scan3A_400, %mul3A_531 : vector<16xf32>
        %mul3A_533 = arith.mulf %get3A_434, %get3A_492 : vector<16xf32>
        %add3A_534 = arith.addf %scan3A_401, %mul3A_533 : vector<16xf32>
        %mul3A_535 = arith.mulf %get3A_434, %get3A_499 : vector<16xf32>
        %add3A_536 = arith.addf %scan3A_402, %mul3A_535 : vector<16xf32>
        %mul3A_537 = arith.mulf %get3A_434, %get3A_506 : vector<16xf32>
        %add3A_538 = arith.addf %scan3A_403, %mul3A_537 : vector<16xf32>
        %mul3A_539 = arith.mulf %get3A_442, %get3A_457 : vector<16xf32>
        %add3A_540 = arith.addf %scan3A_404, %mul3A_539 : vector<16xf32>
        %mul3A_541 = arith.mulf %get3A_442, %get3A_464 : vector<16xf32>
        %add3A_542 = arith.addf %scan3A_405, %mul3A_541 : vector<16xf32>
        %mul3A_543 = arith.mulf %get3A_442, %get3A_471 : vector<16xf32>
        %add3A_544 = arith.addf %scan3A_406, %mul3A_543 : vector<16xf32>
        %mul3A_545 = arith.mulf %get3A_442, %get3A_478 : vector<16xf32>
        %add3A_546 = arith.addf %scan3A_407, %mul3A_545 : vector<16xf32>
        %mul3A_547 = arith.mulf %get3A_442, %get3A_485 : vector<16xf32>
        %add3A_548 = arith.addf %scan3A_408, %mul3A_547 : vector<16xf32>
        %mul3A_549 = arith.mulf %get3A_442, %get3A_492 : vector<16xf32>
        %add3A_550 = arith.addf %scan3A_409, %mul3A_549 : vector<16xf32>
        %mul3A_551 = arith.mulf %get3A_442, %get3A_499 : vector<16xf32>
        %add3A_552 = arith.addf %scan3A_410, %mul3A_551 : vector<16xf32>
        %mul3A_553 = arith.mulf %get3A_442, %get3A_506 : vector<16xf32>
        %add3A_554 = arith.addf %scan3A_411, %mul3A_553 : vector<16xf32>
        %mul3A_555 = arith.mulf %get3A_450, %get3A_457 : vector<16xf32>
        %add3A_556 = arith.addf %scan3A_412, %mul3A_555 : vector<16xf32>
        %mul3A_557 = arith.mulf %get3A_450, %get3A_464 : vector<16xf32>
        %add3A_558 = arith.addf %scan3A_413, %mul3A_557 : vector<16xf32>
        %mul3A_559 = arith.mulf %get3A_450, %get3A_471 : vector<16xf32>
        %add3A_560 = arith.addf %scan3A_414, %mul3A_559 : vector<16xf32>
        %mul3A_561 = arith.mulf %get3A_450, %get3A_478 : vector<16xf32>
        %add3A_562 = arith.addf %scan3A_415, %mul3A_561 : vector<16xf32>
        %mul3A_563 = arith.mulf %get3A_450, %get3A_485 : vector<16xf32>
        %add3A_564 = arith.addf %scan3A_416, %mul3A_563 : vector<16xf32>
        %mul3A_565 = arith.mulf %get3A_450, %get3A_492 : vector<16xf32>
        %add3A_566 = arith.addf %scan3A_417, %mul3A_565 : vector<16xf32>
        %mul3A_567 = arith.mulf %get3A_450, %get3A_499 : vector<16xf32>
        %add3A_568 = arith.addf %scan3A_418, %mul3A_567 : vector<16xf32>
        %mul3A_569 = arith.mulf %get3A_450, %get3A_506 : vector<16xf32>
        %add3A_570 = arith.addf %scan3A_419, %mul3A_569 : vector<16xf32>
        scf.yield %add3A_508, %add3A_510, %add3A_512, %add3A_514, %add3A_516, %add3A_518, %add3A_520, %add3A_522, %add3A_524, %add3A_526, %add3A_528, %add3A_530, %add3A_532, %add3A_534, %add3A_536, %add3A_538, %add3A_540, %add3A_542, %add3A_544, %add3A_546, %add3A_548, %add3A_550, %add3A_552, %add3A_554, %add3A_556, %add3A_558, %add3A_560, %add3A_562, %add3A_564, %add3A_566, %add3A_568, %add3A_570 : vector<16xf32>, vector<16xf32>, vector<16xf32>, vector<16xf32>, vector<16xf32>, vector<16xf32>, vector<16xf32>, vector<16xf32>, vector<16xf32>, vector<16xf32>, vector<16xf32>, vector<16xf32>, vector<16xf32>, vector<16xf32>, vector<16xf32>, vector<16xf32>, vector<16xf32>, vector<16xf32>, vector<16xf32>, vector<16xf32>, vector<16xf32>, vector<16xf32>, vector<16xf32>, vector<16xf32>, vector<16xf32>, vector<16xf32>, vector<16xf32>, vector<16xf32>, vector<16xf32>, vector<16xf32>, vector<16xf32>, vector<16xf32>
      }
      %scan3A_99 = arith.constant 32 : i32
      %add3A_100 = arith.constant 0 : i32
      %add3A_101 = arith.addi %mul3A_30, %add3A_100 : i32
      %mul3A_102 = arith.constant 8 : i32
      %mul3A_103 = arith.muli %add3A_101, %mul3A_102 : i32
      %add3A_104 = arith.constant 0 : i32
      %add3A_105 = arith.addi %mul3A_103, %add3A_104 : i32
      %swap3A = arith.index_cast %add3A_105 : i32 to index
      %swap3A_106 = arith.constant 0 : index
      %swap3A_107 = tpu.vector_load %arg7[%swap3A, %swap3A_106] {strides = array<i32>} : memref<256x32xf32, #tpu.memory_space<vmem>>, vector<16xf32>,
      tpu.vector_store %arg7[%swap3A, %swap3A_106], %scan3A_98#0 {strides = array<i32>} : memref<256x32xf32, #tpu.memory_space<vmem>>, vector<16xf32>,
      %add3A_108 = arith.constant 0 : i32
      %add3A_109 = arith.addi %mul3A_30, %add3A_108 : i32
      %mul3A_110 = arith.constant 8 : i32
      %mul3A_111 = arith.muli %add3A_109, %mul3A_110 : i32
      %add3A_112 = arith.constant 1 : i32
      %add3A_113 = arith.addi %mul3A_111, %add3A_112 : i32
      %swap3A_114 = arith.index_cast %add3A_113 : i32 to index
      %swap3A_115 = arith.constant 0 : index
      %swap3A_116 = tpu.vector_load %arg7[%swap3A_114, %swap3A_115] {strides = array<i32>} : memref<256x32xf32, #tpu.memory_space<vmem>>, vector<16xf32>,
      tpu.vector_store %arg7[%swap3A_114, %swap3A_115], %scan3A_98#1 {strides = array<i32>} : memref<256x32xf32, #tpu.memory_space<vmem>>, vector<16xf32>,
      %add3A_117 = arith.constant 0 : i32
      %add3A_118 = arith.addi %mul3A_30, %add3A_117 : i32
      %mul3A_119 = arith.constant 8 : i32
      %mul3A_120 = arith.muli %add3A_118, %mul3A_119 : i32
      %add3A_121 = arith.constant 2 : i32
      %add3A_122 = arith.addi %mul3A_120, %add3A_121 : i32
      %swap3A_123 = arith.index_cast %add3A_122 : i32 to index
      %swap3A_124 = arith.constant 0 : index
      %swap3A_125 = tpu.vector_load %arg7[%swap3A_123, %swap3A_124] {strides = array<i32>} : memref<256x32xf32, #tpu.memory_space<vmem>>, vector<16xf32>,
      tpu.vector_store %arg7[%swap3A_123, %swap3A_124], %scan3A_98#2 {strides = array<i32>} : memref<256x32xf32, #tpu.memory_space<vmem>>, vector<16xf32>,
      %add3A_126 = arith.constant 0 : i32
      %add3A_127 = arith.addi %mul3A_30, %add3A_126 : i32
      %mul3A_128 = arith.constant 8 : i32
      %mul3A_129 = arith.muli %add3A_127, %mul3A_128 : i32
      %add3A_130 = arith.constant 3 : i32
      %add3A_131 = arith.addi %mul3A_129, %add3A_130 : i32
      %swap3A_132 = arith.index_cast %add3A_131 : i32 to index
      %swap3A_133 = arith.constant 0 : index
      %swap3A_134 = tpu.vector_load %arg7[%swap3A_132, %swap3A_133] {strides = array<i32>} : memref<256x32xf32, #tpu.memory_space<vmem>>, vector<16xf32>,
      tpu.vector_store %arg7[%swap3A_132, %swap3A_133], %scan3A_98#3 {strides = array<i32>} : memref<256x32xf32, #tpu.memory_space<vmem>>, vector<16xf32>,
      %add3A_135 = arith.constant 0 : i32
      %add3A_136 = arith.addi %mul3A_30, %add3A_135 : i32
      %mul3A_137 = arith.constant 8 : i32
      %mul3A_138 = arith.muli %add3A_136, %mul3A_137 : i32
      %add3A_139 = arith.constant 4 : i32
      %add3A_140 = arith.addi %mul3A_138, %add3A_139 : i32
      %swap3A_141 = arith.index_cast %add3A_140 : i32 to index
      %swap3A_142 = arith.constant 0 : index
      %swap3A_143 = tpu.vector_load %arg7[%swap3A_141, %swap3A_142] {strides = array<i32>} : memref<256x32xf32, #tpu.memory_space<vmem>>, vector<16xf32>,
      tpu.vector_store %arg7[%swap3A_141, %swap3A_142], %scan3A_98#4 {strides = array<i32>} : memref<256x32xf32, #tpu.memory_space<vmem>>, vector<16xf32>,
      %add3A_144 = arith.constant 0 : i32
      %add3A_145 = arith.addi %mul3A_30, %add3A_144 : i32
      %mul3A_146 = arith.constant 8 : i32
      %mul3A_147 = arith.muli %add3A_145, %mul3A_146 : i32
      %add3A_148 = arith.constant 5 : i32
      %add3A_149 = arith.addi %mul3A_147, %add3A_148 : i32
      %swap3A_150 = arith.index_cast %add3A_149 : i32 to index
      %swap3A_151 = arith.constant 0 : index
      %swap3A_152 = tpu.vector_load %arg7[%swap3A_150, %swap3A_151] {strides = array<i32>} : memref<256x32xf32, #tpu.memory_space<vmem>>, vector<16xf32>,
      tpu.vector_store %arg7[%swap3A_150, %swap3A_151], %scan3A_98#5 {strides = array<i32>} : memref<256x32xf32, #tpu.memory_space<vmem>>, vector<16xf32>,
      %add3A_153 = arith.constant 0 : i32
      %add3A_154 = arith.addi %mul3A_30, %add3A_153 : i32
      %mul3A_155 = arith.constant 8 : i32
      %mul3A_156 = arith.muli %add3A_154, %mul3A_155 : i32
      %add3A_157 = arith.constant 6 : i32
      %add3A_158 = arith.addi %mul3A_156, %add3A_157 : i32
      %swap3A_159 = arith.index_cast %add3A_158 : i32 to index
      %swap3A_160 = arith.constant 0 : index
      %swap3A_161 = tpu.vector_load %arg7[%swap3A_159, %swap3A_160] {strides = array<i32>} : memref<256x32xf32, #tpu.memory_space<vmem>>, vector<16xf32>,
      tpu.vector_store %arg7[%swap3A_159, %swap3A_160], %scan3A_98#6 {strides = array<i32>} : memref<256x32xf32, #tpu.memory_space<vmem>>, vector<16xf32>,
      %add3A_162 = arith.constant 0 : i32
      %add3A_163 = arith.addi %mul3A_30, %add3A_162 : i32
      %mul3A_164 = arith.constant 8 : i32
      %mul3A_165 = arith.muli %add3A_163, %mul3A_164 : i32
      %add3A_166 = arith.constant 7 : i32
      %add3A_167 = arith.addi %mul3A_165, %add3A_166 : i32
      %swap3A_168 = arith.index_cast %add3A_167 : i32 to index
      %swap3A_169 = arith.constant 0 : index
      %swap3A_170 = tpu.vector_load %arg7[%swap3A_168, %swap3A_169] {strides = array<i32>} : memref<256x32xf32, #tpu.memory_space<vmem>>, vector<16xf32>,
      tpu.vector_store %arg7[%swap3A_168, %swap3A_169], %scan3A_98#7 {strides = array<i32>} : memref<256x32xf32, #tpu.memory_space<vmem>>, vector<16xf32>,
      %add3A_171 = arith.constant 1 : i32
      %add3A_172 = arith.addi %mul3A_30, %add3A_171 : i32
      %mul3A_173 = arith.constant 8 : i32
      %mul3A_174 = arith.muli %add3A_172, %mul3A_173 : i32
      %add3A_175 = arith.constant 0 : i32
      %add3A_176 = arith.addi %mul3A_174, %add3A_175 : i32
      %swap3A_177 = arith.index_cast %add3A_176 : i32 to index
      %swap3A_178 = arith.constant 0 : index
      %swap3A_179 = tpu.vector_load %arg7[%swap3A_177, %swap3A_178] {strides = array<i32>} : memref<256x32xf32, #tpu.memory_space<vmem>>, vector<16xf32>,
      tpu.vector_store %arg7[%swap3A_177, %swap3A_178], %scan3A_98#8 {strides = array<i32>} : memref<256x32xf32, #tpu.memory_space<vmem>>, vector<16xf32>,
      %add3A_180 = arith.constant 1 : i32
      %add3A_181 = arith.addi %mul3A_30, %add3A_180 : i32
      %mul3A_182 = arith.constant 8 : i32
      %mul3A_183 = arith.muli %add3A_181, %mul3A_182 : i32
      %add3A_184 = arith.constant 1 : i32
      %add3A_185 = arith.addi %mul3A_183, %add3A_184 : i32
      %swap3A_186 = arith.index_cast %add3A_185 : i32 to index
      %swap3A_187 = arith.constant 0 : index
      %swap3A_188 = tpu.vector_load %arg7[%swap3A_186, %swap3A_187] {strides = array<i32>} : memref<256x32xf32, #tpu.memory_space<vmem>>, vector<16xf32>,
      tpu.vector_store %arg7[%swap3A_186, %swap3A_187], %scan3A_98#9 {strides = array<i32>} : memref<256x32xf32, #tpu.memory_space<vmem>>, vector<16xf32>,
      %add3A_189 = arith.constant 1 : i32
      %add3A_190 = arith.addi %mul3A_30, %add3A_189 : i32
      %mul3A_191 = arith.constant 8 : i32
      %mul3A_192 = arith.muli %add3A_190, %mul3A_191 : i32
      %add3A_193 = arith.constant 2 : i32
      %add3A_194 = arith.addi %mul3A_192, %add3A_193 : i32
      %swap3A_195 = arith.index_cast %add3A_194 : i32 to index
      %swap3A_196 = arith.constant 0 : index
      %swap3A_197 = tpu.vector_load %arg7[%swap3A_195, %swap3A_196] {strides = array<i32>} : memref<256x32xf32, #tpu.memory_space<vmem>>, vector<16xf32>,
      tpu.vector_store %arg7[%swap3A_195, %swap3A_196], %scan3A_98#10 {strides = array<i32>} : memref<256x32xf32, #tpu.memory_space<vmem>>, vector<16xf32>,
      %add3A_198 = arith.constant 1 : i32
      %add3A_199 = arith.addi %mul3A_30, %add3A_198 : i32
      %mul3A_200 = arith.constant 8 : i32
      %mul3A_201 = arith.muli %add3A_199, %mul3A_200 : i32
      %add3A_202 = arith.constant 3 : i32
      %add3A_203 = arith.addi %mul3A_201, %add3A_202 : i32
      %swap3A_204 = arith.index_cast %add3A_203 : i32 to index
      %swap3A_205 = arith.constant 0 : index
      %swap3A_206 = tpu.vector_load %arg7[%swap3A_204, %swap3A_205] {strides = array<i32>} : memref<256x32xf32, #tpu.memory_space<vmem>>, vector<16xf32>,
      tpu.vector_store %arg7[%swap3A_204, %swap3A_205], %scan3A_98#11 {strides = array<i32>} : memref<256x32xf32, #tpu.memory_space<vmem>>, vector<16xf32>,
      %add3A_207 = arith.constant 1 : i32
      %add3A_208 = arith.addi %mul3A_30, %add3A_207 : i32
      %mul3A_209 = arith.constant 8 : i32
      %mul3A_210 = arith.muli %add3A_208, %mul3A_209 : i32
      %add3A_211 = arith.constant 4 : i32
      %add3A_212 = arith.addi %mul3A_210, %add3A_211 : i32
      %swap3A_213 = arith.index_cast %add3A_212 : i32 to index
      %swap3A_214 = arith.constant 0 : index
      %swap3A_215 = tpu.vector_load %arg7[%swap3A_213, %swap3A_214] {strides = array<i32>} : memref<256x32xf32, #tpu.memory_space<vmem>>, vector<16xf32>,
      tpu.vector_store %arg7[%swap3A_213, %swap3A_214], %scan3A_98#12 {strides = array<i32>} : memref<256x32xf32, #tpu.memory_space<vmem>>, vector<16xf32>,
      %add3A_216 = arith.constant 1 : i32
      %add3A_217 = arith.addi %mul3A_30, %add3A_216 : i32
      %mul3A_218 = arith.constant 8 : i32
      %mul3A_219 = arith.muli %add3A_217, %mul3A_218 : i32
      %add3A_220 = arith.constant 5 : i32
      %add3A_221 = arith.addi %mul3A_219, %add3A_220 : i32
      %swap3A_222 = arith.index_cast %add3A_221 : i32 to index
      %swap3A_223 = arith.constant 0 : index
      %swap3A_224 = tpu.vector_load %arg7[%swap3A_222, %swap3A_223] {strides = array<i32>} : memref<256x32xf32, #tpu.memory_space<vmem>>, vector<16xf32>,
      tpu.vector_store %arg7[%swap3A_222, %swap3A_223], %scan3A_98#13 {strides = array<i32>} : memref<256x32xf32, #tpu.memory_space<vmem>>, vector<16xf32>,
      %add3A_225 = arith.constant 1 : i32
      %add3A_226 = arith.addi %mul3A_30, %add3A_225 : i32
      %mul3A_227 = arith.constant 8 : i32
      %mul3A_228 = arith.muli %add3A_226, %mul3A_227 : i32
      %add3A_229 = arith.constant 6 : i32
      %add3A_230 = arith.addi %mul3A_228, %add3A_229 : i32
      %swap3A_231 = arith.index_cast %add3A_230 : i32 to index
      %swap3A_232 = arith.constant 0 : index
      %swap3A_233 = tpu.vector_load %arg7[%swap3A_231, %swap3A_232] {strides = array<i32>} : memref<256x32xf32, #tpu.memory_space<vmem>>, vector<16xf32>,
      tpu.vector_store %arg7[%swap3A_231, %swap3A_232], %scan3A_98#14 {strides = array<i32>} : memref<256x32xf32, #tpu.memory_space<vmem>>, vector<16xf32>,
      %add3A_234 = arith.constant 1 : i32
      %add3A_235 = arith.addi %mul3A_30, %add3A_234 : i32
      %mul3A_236 = arith.constant 8 : i32
      %mul3A_237 = arith.muli %add3A_235, %mul3A_236 : i32
      %add3A_238 = arith.constant 7 : i32
      %add3A_239 = arith.addi %mul3A_237, %add3A_238 : i32
      %swap3A_240 = arith.index_cast %add3A_239 : i32 to index
      %swap3A_241 = arith.constant 0 : index
      %swap3A_242 = tpu.vector_load %arg7[%swap3A_240, %swap3A_241] {strides = array<i32>} : memref<256x32xf32, #tpu.memory_space<vmem>>, vector<16xf32>,
      tpu.vector_store %arg7[%swap3A_240, %swap3A_241], %scan3A_98#15 {strides = array<i32>} : memref<256x32xf32, #tpu.memory_space<vmem>>, vector<16xf32>,
      %add3A_243 = arith.constant 2 : i32
      %add3A_244 = arith.addi %mul3A_30, %add3A_243 : i32
      %mul3A_245 = arith.constant 8 : i32
      %mul3A_246 = arith.muli %add3A_244, %mul3A_245 : i32
      %add3A_247 = arith.constant 0 : i32
      %add3A_248 = arith.addi %mul3A_246, %add3A_247 : i32
      %swap3A_249 = arith.index_cast %add3A_248 : i32 to index
      %swap3A_250 = arith.constant 0 : index
      %swap3A_251 = tpu.vector_load %arg7[%swap3A_249, %swap3A_250] {strides = array<i32>} : memref<256x32xf32, #tpu.memory_space<vmem>>, vector<16xf32>,
      tpu.vector_store %arg7[%swap3A_249, %swap3A_250], %scan3A_98#16 {strides = array<i32>} : memref<256x32xf32, #tpu.memory_space<vmem>>, vector<16xf32>,
      %add3A_252 = arith.constant 2 : i32
      %add3A_253 = arith.addi %mul3A_30, %add3A_252 : i32
      %mul3A_254 = arith.constant 8 : i32
      %mul3A_255 = arith.muli %add3A_253, %mul3A_254 : i32
      %add3A_256 = arith.constant 1 : i32
      %add3A_257 = arith.addi %mul3A_255, %add3A_256 : i32
      %swap3A_258 = arith.index_cast %add3A_257 : i32 to index
      %swap3A_259 = arith.constant 0 : index
      %swap3A_260 = tpu.vector_load %arg7[%swap3A_258, %swap3A_259] {strides = array<i32>} : memref<256x32xf32, #tpu.memory_space<vmem>>, vector<16xf32>,
      tpu.vector_store %arg7[%swap3A_258, %swap3A_259], %scan3A_98#17 {strides = array<i32>} : memref<256x32xf32, #tpu.memory_space<vmem>>, vector<16xf32>,
      %add3A_261 = arith.constant 2 : i32
      %add3A_262 = arith.addi %mul3A_30, %add3A_261 : i32
      %mul3A_263 = arith.constant 8 : i32
      %mul3A_264 = arith.muli %add3A_262, %mul3A_263 : i32
      %add3A_265 = arith.constant 2 : i32
      %add3A_266 = arith.addi %mul3A_264, %add3A_265 : i32
      %swap3A_267 = arith.index_cast %add3A_266 : i32 to index
      %swap3A_268 = arith.constant 0 : index
      %swap3A_269 = tpu.vector_load %arg7[%swap3A_267, %swap3A_268] {strides = array<i32>} : memref<256x32xf32, #tpu.memory_space<vmem>>, vector<16xf32>,
      tpu.vector_store %arg7[%swap3A_267, %swap3A_268], %scan3A_98#18 {strides = array<i32>} : memref<256x32xf32, #tpu.memory_space<vmem>>, vector<16xf32>,
      %add3A_270 = arith.constant 2 : i32
      %add3A_271 = arith.addi %mul3A_30, %add3A_270 : i32
      %mul3A_272 = arith.constant 8 : i32
      %mul3A_273 = arith.muli %add3A_271, %mul3A_272 : i32
      %add3A_274 = arith.constant 3 : i32
      %add3A_275 = arith.addi %mul3A_273, %add3A_274 : i32
      %swap3A_276 = arith.index_cast %add3A_275 : i32 to index
      %swap3A_277 = arith.constant 0 : index
      %swap3A_278 = tpu.vector_load %arg7[%swap3A_276, %swap3A_277] {strides = array<i32>} : memref<256x32xf32, #tpu.memory_space<vmem>>, vector<16xf32>,
      tpu.vector_store %arg7[%swap3A_276, %swap3A_277], %scan3A_98#19 {strides = array<i32>} : memref<256x32xf32, #tpu.memory_space<vmem>>, vector<16xf32>,
      %add3A_279 = arith.constant 2 : i32
      %add3A_280 = arith.addi %mul3A_30, %add3A_279 : i32
      %mul3A_281 = arith.constant 8 : i32
      %mul3A_282 = arith.muli %add3A_280, %mul3A_281 : i32
      %add3A_283 = arith.constant 4 : i32
      %add3A_284 = arith.addi %mul3A_282, %add3A_283 : i32
      %swap3A_285 = arith.index_cast %add3A_284 : i32 to index
      %swap3A_286 = arith.constant 0 : index
      %swap3A_287 = tpu.vector_load %arg7[%swap3A_285, %swap3A_286] {strides = array<i32>} : memref<256x32xf32, #tpu.memory_space<vmem>>, vector<16xf32>,
      tpu.vector_store %arg7[%swap3A_285, %swap3A_286], %scan3A_98#20 {strides = array<i32>} : memref<256x32xf32, #tpu.memory_space<vmem>>, vector<16xf32>,
      %add3A_288 = arith.constant 2 : i32
      %add3A_289 = arith.addi %mul3A_30, %add3A_288 : i32
      %mul3A_290 = arith.constant 8 : i32
      %mul3A_291 = arith.muli %add3A_289, %mul3A_290 : i32
      %add3A_292 = arith.constant 5 : i32
      %add3A_293 = arith.addi %mul3A_291, %add3A_292 : i32
      %swap3A_294 = arith.index_cast %add3A_293 : i32 to index
      %swap3A_295 = arith.constant 0 : index
      %swap3A_296 = tpu.vector_load %arg7[%swap3A_294, %swap3A_295] {strides = array<i32>} : memref<256x32xf32, #tpu.memory_space<vmem>>, vector<16xf32>,
      tpu.vector_store %arg7[%swap3A_294, %swap3A_295], %scan3A_98#21 {strides = array<i32>} : memref<256x32xf32, #tpu.memory_space<vmem>>, vector<16xf32>,
      %add3A_297 = arith.constant 2 : i32
      %add3A_298 = arith.addi %mul3A_30, %add3A_297 : i32
      %mul3A_299 = arith.constant 8 : i32
      %mul3A_300 = arith.muli %add3A_298, %mul3A_299 : i32
      %add3A_301 = arith.constant 6 : i32
      %add3A_302 = arith.addi %mul3A_300, %add3A_301 : i32
      %swap3A_303 = arith.index_cast %add3A_302 : i32 to index
      %swap3A_304 = arith.constant 0 : index
      %swap3A_305 = tpu.vector_load %arg7[%swap3A_303, %swap3A_304] {strides = array<i32>} : memref<256x32xf32, #tpu.memory_space<vmem>>, vector<16xf32>,
      tpu.vector_store %arg7[%swap3A_303, %swap3A_304], %scan3A_98#22 {strides = array<i32>} : memref<256x32xf32, #tpu.memory_space<vmem>>, vector<16xf32>,
      %add3A_306 = arith.constant 2 : i32
      %add3A_307 = arith.addi %mul3A_30, %add3A_306 : i32
      %mul3A_308 = arith.constant 8 : i32
      %mul3A_309 = arith.muli %add3A_307, %mul3A_308 : i32
      %add3A_310 = arith.constant 7 : i32
      %add3A_311 = arith.addi %mul3A_309, %add3A_310 : i32
      %swap3A_312 = arith.index_cast %add3A_311 : i32 to index
      %swap3A_313 = arith.constant 0 : index
      %swap3A_314 = tpu.vector_load %arg7[%swap3A_312, %swap3A_313] {strides = array<i32>} : memref<256x32xf32, #tpu.memory_space<vmem>>, vector<16xf32>,
      tpu.vector_store %arg7[%swap3A_312, %swap3A_313], %scan3A_98#23 {strides = array<i32>} : memref<256x32xf32, #tpu.memory_space<vmem>>, vector<16xf32>,
      %add3A_315 = arith.constant 3 : i32
      %add3A_316 = arith.addi %mul3A_30, %add3A_315 : i32
      %mul3A_317 = arith.constant 8 : i32
      %mul3A_318 = arith.muli %add3A_316, %mul3A_317 : i32
      %add3A_319 = arith.constant 0 : i32
      %add3A_320 = arith.addi %mul3A_318, %add3A_319 : i32
      %swap3A_321 = arith.index_cast %add3A_320 : i32 to index
      %swap3A_322 = arith.constant 0 : index
      %swap3A_323 = tpu.vector_load %arg7[%swap3A_321, %swap3A_322] {strides = array<i32>} : memref<256x32xf32, #tpu.memory_space<vmem>>, vector<16xf32>,
      tpu.vector_store %arg7[%swap3A_321, %swap3A_322], %scan3A_98#24 {strides = array<i32>} : memref<256x32xf32, #tpu.memory_space<vmem>>, vector<16xf32>,
      %add3A_324 = arith.constant 3 : i32
      %add3A_325 = arith.addi %mul3A_30, %add3A_324 : i32
      %mul3A_326 = arith.constant 8 : i32
      %mul3A_327 = arith.muli %add3A_325, %mul3A_326 : i32
      %add3A_328 = arith.constant 1 : i32
      %add3A_329 = arith.addi %mul3A_327, %add3A_328 : i32
      %swap3A_330 = arith.index_cast %add3A_329 : i32 to index
      %swap3A_331 = arith.constant 0 : index
      %swap3A_332 = tpu.vector_load %arg7[%swap3A_330, %swap3A_331] {strides = array<i32>} : memref<256x32xf32, #tpu.memory_space<vmem>>, vector<16xf32>,
      tpu.vector_store %arg7[%swap3A_330, %swap3A_331], %scan3A_98#25 {strides = array<i32>} : memref<256x32xf32, #tpu.memory_space<vmem>>, vector<16xf32>,
      %add3A_333 = arith.constant 3 : i32
      %add3A_334 = arith.addi %mul3A_30, %add3A_333 : i32
      %mul3A_335 = arith.constant 8 : i32
      %mul3A_336 = arith.muli %add3A_334, %mul3A_335 : i32
      %add3A_337 = arith.constant 2 : i32
      %add3A_338 = arith.addi %mul3A_336, %add3A_337 : i32
      %swap3A_339 = arith.index_cast %add3A_338 : i32 to index
      %swap3A_340 = arith.constant 0 : index
      %swap3A_341 = tpu.vector_load %arg7[%swap3A_339, %swap3A_340] {strides = array<i32>} : memref<256x32xf32, #tpu.memory_space<vmem>>, vector<16xf32>,
      tpu.vector_store %arg7[%swap3A_339, %swap3A_340], %scan3A_98#26 {strides = array<i32>} : memref<256x32xf32, #tpu.memory_space<vmem>>, vector<16xf32>,
      %add3A_342 = arith.constant 3 : i32
      %add3A_343 = arith.addi %mul3A_30, %add3A_342 : i32
      %mul3A_344 = arith.constant 8 : i32
      %mul3A_345 = arith.muli %add3A_343, %mul3A_344 : i32
      %add3A_346 = arith.constant 3 : i32
      %add3A_347 = arith.addi %mul3A_345, %add3A_346 : i32
      %swap3A_348 = arith.index_cast %add3A_347 : i32 to index
      %swap3A_349 = arith.constant 0 : index
      %swap3A_350 = tpu.vector_load %arg7[%swap3A_348, %swap3A_349] {strides = array<i32>} : memref<256x32xf32, #tpu.memory_space<vmem>>, vector<16xf32>,
      tpu.vector_store %arg7[%swap3A_348, %swap3A_349], %scan3A_98#27 {strides = array<i32>} : memref<256x32xf32, #tpu.memory_space<vmem>>, vector<16xf32>,
      %add3A_351 = arith.constant 3 : i32
      %add3A_352 = arith.addi %mul3A_30, %add3A_351 : i32
      %mul3A_353 = arith.constant 8 : i32
      %mul3A_354 = arith.muli %add3A_352, %mul3A_353 : i32
      %add3A_355 = arith.constant 4 : i32
      %add3A_356 = arith.addi %mul3A_354, %add3A_355 : i32
      %swap3A_357 = arith.index_cast %add3A_356 : i32 to index
      %swap3A_358 = arith.constant 0 : index
      %swap3A_359 = tpu.vector_load %arg7[%swap3A_357, %swap3A_358] {strides = array<i32>} : memref<256x32xf32, #tpu.memory_space<vmem>>, vector<16xf32>,
      tpu.vector_store %arg7[%swap3A_357, %swap3A_358], %scan3A_98#28 {strides = array<i32>} : memref<256x32xf32, #tpu.memory_space<vmem>>, vector<16xf32>,
      %add3A_360 = arith.constant 3 : i32
      %add3A_361 = arith.addi %mul3A_30, %add3A_360 : i32
      %mul3A_362 = arith.constant 8 : i32
      %mul3A_363 = arith.muli %add3A_361, %mul3A_362 : i32
      %add3A_364 = arith.constant 5 : i32
      %add3A_365 = arith.addi %mul3A_363, %add3A_364 : i32
      %swap3A_366 = arith.index_cast %add3A_365 : i32 to index
      %swap3A_367 = arith.constant 0 : index
      %swap3A_368 = tpu.vector_load %arg7[%swap3A_366, %swap3A_367] {strides = array<i32>} : memref<256x32xf32, #tpu.memory_space<vmem>>, vector<16xf32>,
      tpu.vector_store %arg7[%swap3A_366, %swap3A_367], %scan3A_98#29 {strides = array<i32>} : memref<256x32xf32, #tpu.memory_space<vmem>>, vector<16xf32>,
      %add3A_369 = arith.constant 3 : i32
      %add3A_370 = arith.addi %mul3A_30, %add3A_369 : i32
      %mul3A_371 = arith.constant 8 : i32
      %mul3A_372 = arith.muli %add3A_370, %mul3A_371 : i32
      %add3A_373 = arith.constant 6 : i32
      %add3A_374 = arith.addi %mul3A_372, %add3A_373 : i32
      %swap3A_375 = arith.index_cast %add3A_374 : i32 to index
      %swap3A_376 = arith.constant 0 : index
      %swap3A_377 = tpu.vector_load %arg7[%swap3A_375, %swap3A_376] {strides = array<i32>} : memref<256x32xf32, #tpu.memory_space<vmem>>, vector<16xf32>,
      tpu.vector_store %arg7[%swap3A_375, %swap3A_376], %scan3A_98#30 {strides = array<i32>} : memref<256x32xf32, #tpu.memory_space<vmem>>, vector<16xf32>,
      %add3A_378 = arith.constant 3 : i32
      %add3A_379 = arith.addi %mul3A_30, %add3A_378 : i32
      %mul3A_380 = arith.constant 8 : i32
      %mul3A_381 = arith.muli %add3A_379, %mul3A_380 : i32
      %add3A_382 = arith.constant 7 : i32
      %add3A_383 = arith.addi %mul3A_381, %add3A_382 : i32
      %swap3A_384 = arith.index_cast %add3A_383 : i32 to index
      %swap3A_385 = arith.constant 0 : index
      %swap3A_386 = tpu.vector_load %arg7[%swap3A_384, %swap3A_385] {strides = array<i32>} : memref<256x32xf32, #tpu.memory_space<vmem>>, vector<16xf32>,
      tpu.vector_store %arg7[%swap3A_384, %swap3A_385], %scan3A_98#31 {strides = array<i32>} : memref<256x32xf32, #tpu.memory_space<vmem>>, vector<16xf32>,
    }
    %scan3A_21 = arith.constant 8 : i32
    %scan3A_22 = arith.constant 0 : i32
    %scan3A_23 = arith.constant 0 : i32
    %scan3A_24 = arith.constant 8 : i32
    %scan3A_25 = arith.addi %scan3A_23, %scan3A_24 : i32
    %scan3A_26 = arith.constant 1 : i32
    scf.for %scan3A_28 = %scan3A_23 to %scan3A_25 step %scan3A_26  : i32 {
      %mul3A_29 = arith.constant 4 : i32
      %mul3A_30 = arith.muli %scan3A_28, %mul3A_29 : i32
      %broadcast_in_dim3A = arith.constant 0.000000e+00 : f32
      %broadcast_in_dim3A_31 = vector.broadcast %broadcast_in_dim3A : f32 to vector<16xf32>
      %broadcast_in_dim3A_32 = arith.constant 0.000000e+00 : f32
      %broadcast_in_dim3A_33 = vector.broadcast %broadcast_in_dim3A_32 : f32 to vector<16xf32>
      %broadcast_in_dim3A_34 = arith.constant 0.000000e+00 : f32
      %broadcast_in_dim3A_35 = vector.broadcast %broadcast_in_dim3A_34 : f32 to vector<16xf32>
      %broadcast_in_dim3A_36 = arith.constant 0.000000e+00 : f32
      %broadcast_in_dim3A_37 = vector.broadcast %broadcast_in_dim3A_36 : f32 to vector<16xf32>
      %broadcast_in_dim3A_38 = arith.constant 0.000000e+00 : f32
      %broadcast_in_dim3A_39 = vector.broadcast %broadcast_in_dim3A_38 : f32 to vector<16xf32>
      %broadcast_in_dim3A_40 = arith.constant 0.000000e+00 : f32
      %broadcast_in_dim3A_41 = vector.broadcast %broadcast_in_dim3A_40 : f32 to vector<16xf32>
      %broadcast_in_dim3A_42 = arith.constant 0.000000e+00 : f32
      %broadcast_in_dim3A_43 = vector.broadcast %broadcast_in_dim3A_42 : f32 to vector<16xf32>
      %broadcast_in_dim3A_44 = arith.constant 0.000000e+00 : f32
      %broadcast_in_dim3A_45 = vector.broadcast %broadcast_in_dim3A_44 : f32 to vector<16xf32>
      %broadcast_in_dim3A_46 = arith.constant 0.000000e+00 : f32
      %broadcast_in_dim3A_47 = vector.broadcast %broadcast_in_dim3A_46 : f32 to vector<16xf32>
      %broadcast_in_dim3A_48 = arith.constant 0.000000e+00 : f32
      %broadcast_in_dim3A_49 = vector.broadcast %broadcast_in_dim3A_48 : f32 to vector<16xf32>
      %broadcast_in_dim3A_50 = arith.constant 0.000000e+00 : f32
      %broadcast_in_dim3A_51 = vector.broadcast %broadcast_in_dim3A_50 : f32 to vector<16xf32>
      %broadcast_in_dim3A_52 = arith.constant 0.000000e+00 : f32
      %broadcast_in_dim3A_53 = vector.broadcast %broadcast_in_dim3A_52 : f32 to vector<16xf32>
      %broadcast_in_dim3A_54 = arith.constant 0.000000e+00 : f32
      %broadcast_in_dim3A_55 = vector.broadcast %broadcast_in_dim3A_54 : f32 to vector<16xf32>
      %broadcast_in_dim3A_56 = arith.constant 0.000000e+00 : f32
      %broadcast_in_dim3A_57 = vector.broadcast %broadcast_in_dim3A_56 : f32 to vector<16xf32>
      %broadcast_in_dim3A_58 = arith.constant 0.000000e+00 : f32
      %broadcast_in_dim3A_59 = vector.broadcast %broadcast_in_dim3A_58 : f32 to vector<16xf32>
      %broadcast_in_dim3A_60 = arith.constant 0.000000e+00 : f32
      %broadcast_in_dim3A_61 = vector.broadcast %broadcast_in_dim3A_60 : f32 to vector<16xf32>
      %broadcast_in_dim3A_62 = arith.constant 0.000000e+00 : f32
      %broadcast_in_dim3A_63 = vector.broadcast %broadcast_in_dim3A_62 : f32 to vector<16xf32>
      %broadcast_in_dim3A_64 = arith.constant 0.000000e+00 : f32
      %broadcast_in_dim3A_65 = vector.broadcast %broadcast_in_dim3A_64 : f32 to vector<16xf32>
      %broadcast_in_dim3A_66 = arith.constant 0.000000e+00 : f32
      %broadcast_in_dim3A_67 = vector.broadcast %broadcast_in_dim3A_66 : f32 to vector<16xf32>
      %broadcast_in_dim3A_68 = arith.constant 0.000000e+00 : f32
      %broadcast_in_dim3A_69 = vector.broadcast %broadcast_in_dim3A_68 : f32 to vector<16xf32>
      %broadcast_in_dim3A_70 = arith.constant 0.000000e+00 : f32
      %broadcast_in_dim3A_71 = vector.broadcast %broadcast_in_dim3A_70 : f32 to vector<16xf32>
      %broadcast_in_dim3A_72 = arith.constant 0.000000e+00 : f32
      %broadcast_in_dim3A_73 = vector.broadcast %broadcast_in_dim3A_72 : f32 to vector<16xf32>
      %broadcast_in_dim3A_74 = arith.constant 0.000000e+00 : f32
      %broadcast_in_dim3A_75 = vector.broadcast %broadcast_in_dim3A_74 : f32 to vector<16xf32>
      %broadcast_in_dim3A_76 = arith.constant 0.000000e+00 : f32
      %broadcast_in_dim3A_77 = vector.broadcast %broadcast_in_dim3A_76 : f32 to vector<16xf32>
      %broadcast_in_dim3A_78 = arith.constant 0.000000e+00 : f32
      %broadcast_in_dim3A_79 = vector.broadcast %broadcast_in_dim3A_78 : f32 to vector<16xf32>
      %broadcast_in_dim3A_80 = arith.constant 0.000000e+00 : f32
      %broadcast_in_dim3A_81 = vector.broadcast %broadcast_in_dim3A_80 : f32 to vector<16xf32>
      %broadcast_in_dim3A_82 = arith.constant 0.000000e+00 : f32
      %broadcast_in_dim3A_83 = vector.broadcast %broadcast_in_dim3A_82 : f32 to vector<16xf32>
      %broadcast_in_dim3A_84 = arith.constant 0.000000e+00 : f32
      %broadcast_in_dim3A_85 = vector.broadcast %broadcast_in_dim3A_84 : f32 to vector<16xf32>
      %broadcast_in_dim3A_86 = arith.constant 0.000000e+00 : f32
      %broadcast_in_dim3A_87 = vector.broadcast %broadcast_in_dim3A_86 : f32 to vector<16xf32>
      %broadcast_in_dim3A_88 = arith.constant 0.000000e+00 : f32
      %broadcast_in_dim3A_89 = vector.broadcast %broadcast_in_dim3A_88 : f32 to vector<16xf32>
      %broadcast_in_dim3A_90 = arith.constant 0.000000e+00 : f32
      %broadcast_in_dim3A_91 = vector.broadcast %broadcast_in_dim3A_90 : f32 to vector<16xf32>
      %broadcast_in_dim3A_92 = arith.constant 0.000000e+00 : f32
      %broadcast_in_dim3A_93 = vector.broadcast %broadcast_in_dim3A_92 : f32 to vector<16xf32>
      %scan3A_94 = arith.constant 0 : i32
      %scan3A_95 = arith.constant 32 : i32
      %scan3A_96 = arith.addi %scan3A_94, %scan3A_95 : i32
      %scan3A_97 = arith.constant 1 : i32
      %scan3A_98:32 = scf.for %scan3A_387 = %scan3A_94 to %scan3A_96 step %scan3A_97 iter_args(%scan3A_388 = %broadcast_in_dim3A_31, %scan3A_389 = %broadcast_in_dim3A_33, %scan3A_390 = %broadcast_in_dim3A_35, %scan3A_391 = %broadcast_in_dim3A_37, %scan3A_392 = %broadcast_in_dim3A_39, %scan3A_393 = %broadcast_in_dim3A_41, %scan3A_394 = %broadcast_in_dim3A_43, %scan3A_395 = %broadcast_in_dim3A_45, %scan3A_396 = %broadcast_in_dim3A_47, %scan3A_397 = %broadcast_in_dim3A_49, %scan3A_398 = %broadcast_in_dim3A_51, %scan3A_399 = %broadcast_in_dim3A_53, %scan3A_400 = %broadcast_in_dim3A_55, %scan3A_401 = %broadcast_in_dim3A_57, %scan3A_402 = %broadcast_in_dim3A_59, %scan3A_403 = %broadcast_in_dim3A_61, %scan3A_404 = %broadcast_in_dim3A_63, %scan3A_405 = %broadcast_in_dim3A_65, %scan3A_406 = %broadcast_in_dim3A_67, %scan3A_407 = %broadcast_in_dim3A_69, %scan3A_408 = %broadcast_in_dim3A_71, %scan3A_409 = %broadcast_in_dim3A_73, %scan3A_410 = %broadcast_in_dim3A_75, %scan3A_411 = %broadcast_in_dim3A_77, %scan3A_412 = %broadcast_in_dim3A_79, %scan3A_413 = %broadcast_in_dim3A_81, %scan3A_414 = %broadcast_in_dim3A_83, %scan3A_415 = %broadcast_in_dim3A_85, %scan3A_416 = %broadcast_in_dim3A_87, %scan3A_417 = %broadcast_in_dim3A_89, %scan3A_418 = %broadcast_in_dim3A_91, %scan3A_419 = %broadcast_in_dim3A_93) -> (vector<16xf32>, vector<16xf32>, vector<16xf32>, vector<16xf32>, vector<16xf32>, vector<16xf32>, vector<16xf32>, vector<16xf32>, vector<16xf32>, vector<16xf32>, vector<16xf32>, vector<16xf32>, vector<16xf32>, vector<16xf32>, vector<16xf32>, vector<16xf32>, vector<16xf32>, vector<16xf32>, vector<16xf32>, vector<16xf32>, vector<16xf32>, vector<16xf32>, vector<16xf32>, vector<16xf32>, vector<16xf32>, vector<16xf32>, vector<16xf32>, vector<16xf32>, vector<16xf32>, vector<16xf32>, vector<16xf32>, vector<16xf32>)  : i32 {
        %add3A_420 = arith.constant 0 : i32
        %add3A_421 = arith.addi %mul3A_30, %add3A_420 : i32
        %mul3A_422 = arith.constant 32 : i32
        %mul3A_423 = arith.muli %add3A_421, %mul3A_422 : i32
        %add3A_424 = arith.addi %mul3A_423, %scan3A_387 : i32
        %get3A = arith.index_cast %add3A_424 : i32 to index
        %get3A_425 = arith.constant 16 : index
        %get3A_426 = tpu.vector_load %arg5[%get3A, %get3A_425] {strides = array<i32>} : memref<1024x32xf32, #tpu.memory_space<vmem>>, vector<16xf32>,
        %add3A_427 = arith.constant 1 : i32
        %add3A_428 = arith.addi %mul3A_30, %add3A_427 : i32
        %mul3A_429 = arith.constant 32 : i32
        %mul3A_430 = arith.muli %add3A_428, %mul3A_429 : i32
        %add3A_431 = arith.addi %mul3A_430, %scan3A_387 : i32
        %get3A_432 = arith.index_cast %add3A_431 : i32 to index
        %get3A_433 = arith.constant 16 : index
        %get3A_434 = tpu.vector_load %arg5[%get3A_432, %get3A_433] {strides = array<i32>} : memref<1024x32xf32, #tpu.memory_space<vmem>>, vector<16xf32>,
        %add3A_435 = arith.constant 2 : i32
        %add3A_436 = arith.addi %mul3A_30, %add3A_435 : i32
        %mul3A_437 = arith.constant 32 : i32
        %mul3A_438 = arith.muli %add3A_436, %mul3A_437 : i32
        %add3A_439 = arith.addi %mul3A_438, %scan3A_387 : i32
        %get3A_440 = arith.index_cast %add3A_439 : i32 to index
        %get3A_441 = arith.constant 16 : index
        %get3A_442 = tpu.vector_load %arg5[%get3A_440, %get3A_441] {strides = array<i32>} : memref<1024x32xf32, #tpu.memory_space<vmem>>, vector<16xf32>,
        %add3A_443 = arith.constant 3 : i32
        %add3A_444 = arith.addi %mul3A_30, %add3A_443 : i32
        %mul3A_445 = arith.constant 32 : i32
        %mul3A_446 = arith.muli %add3A_444, %mul3A_445 : i32
        %add3A_447 = arith.addi %mul3A_446, %scan3A_387 : i32
        %get3A_448 = arith.index_cast %add3A_447 : i32 to index
        %get3A_449 = arith.constant 16 : index
        %get3A_450 = tpu.vector_load %arg5[%get3A_448, %get3A_449] {strides = array<i32>} : memref<1024x32xf32, #tpu.memory_space<vmem>>, vector<16xf32>,
        %mul3A_451 = arith.constant 8 : i32
        %mul3A_452 = arith.muli %scan3A_387, %mul3A_451 : i32
        %add3A_453 = arith.constant 0 : i32
        %add3A_454 = arith.addi %mul3A_452, %add3A_453 : i32
        %get3A_455 = arith.index_cast %add3A_454 : i32 to index
        %get3A_456 = arith.constant 16 : index
        %get3A_457 = tpu.vector_load %arg6[%get3A_455, %get3A_456] {strides = array<i32>} : memref<256x32xf32, #tpu.memory_space<vmem>>, vector<16xf32>,
        %mul3A_458 = arith.constant 8 : i32
        %mul3A_459 = arith.muli %scan3A_387, %mul3A_458 : i32
        %add3A_460 = arith.constant 1 : i32
        %add3A_461 = arith.addi %mul3A_459, %add3A_460 : i32
        %get3A_462 = arith.index_cast %add3A_461 : i32 to index
        %get3A_463 = arith.constant 16 : index
        %get3A_464 = tpu.vector_load %arg6[%get3A_462, %get3A_463] {strides = array<i32>} : memref<256x32xf32, #tpu.memory_space<vmem>>, vector<16xf32>,
        %mul3A_465 = arith.constant 8 : i32
        %mul3A_466 = arith.muli %scan3A_387, %mul3A_465 : i32
        %add3A_467 = arith.constant 2 : i32
        %add3A_468 = arith.addi %mul3A_466, %add3A_467 : i32
        %get3A_469 = arith.index_cast %add3A_468 : i32 to index
        %get3A_470 = arith.constant 16 : index
        %get3A_471 = tpu.vector_load %arg6[%get3A_469, %get3A_470] {strides = array<i32>} : memref<256x32xf32, #tpu.memory_space<vmem>>, vector<16xf32>,
        %mul3A_472 = arith.constant 8 : i32
        %mul3A_473 = arith.muli %scan3A_387, %mul3A_472 : i32
        %add3A_474 = arith.constant 3 : i32
        %add3A_475 = arith.addi %mul3A_473, %add3A_474 : i32
        %get3A_476 = arith.index_cast %add3A_475 : i32 to index
        %get3A_477 = arith.constant 16 : index
        %get3A_478 = tpu.vector_load %arg6[%get3A_476, %get3A_477] {strides = array<i32>} : memref<256x32xf32, #tpu.memory_space<vmem>>, vector<16xf32>,
        %mul3A_479 = arith.constant 8 : i32
        %mul3A_480 = arith.muli %scan3A_387, %mul3A_479 : i32
        %add3A_481 = arith.constant 4 : i32
        %add3A_482 = arith.addi %mul3A_480, %add3A_481 : i32
        %get3A_483 = arith.index_cast %add3A_482 : i32 to index
        %get3A_484 = arith.constant 16 : index
        %get3A_485 = tpu.vector_load %arg6[%get3A_483, %get3A_484] {strides = array<i32>} : memref<256x32xf32, #tpu.memory_space<vmem>>, vector<16xf32>,
        %mul3A_486 = arith.constant 8 : i32
        %mul3A_487 = arith.muli %scan3A_387, %mul3A_486 : i32
        %add3A_488 = arith.constant 5 : i32
        %add3A_489 = arith.addi %mul3A_487, %add3A_488 : i32
        %get3A_490 = arith.index_cast %add3A_489 : i32 to index
        %get3A_491 = arith.constant 16 : index
        %get3A_492 = tpu.vector_load %arg6[%get3A_490, %get3A_491] {strides = array<i32>} : memref<256x32xf32, #tpu.memory_space<vmem>>, vector<16xf32>,
        %mul3A_493 = arith.constant 8 : i32
        %mul3A_494 = arith.muli %scan3A_387, %mul3A_493 : i32
        %add3A_495 = arith.constant 6 : i32
        %add3A_496 = arith.addi %mul3A_494, %add3A_495 : i32
        %get3A_497 = arith.index_cast %add3A_496 : i32 to index
        %get3A_498 = arith.constant 16 : index
        %get3A_499 = tpu.vector_load %arg6[%get3A_497, %get3A_498] {strides = array<i32>} : memref<256x32xf32, #tpu.memory_space<vmem>>, vector<16xf32>,
        %mul3A_500 = arith.constant 8 : i32
        %mul3A_501 = arith.muli %scan3A_387, %mul3A_500 : i32
        %add3A_502 = arith.constant 7 : i32
        %add3A_503 = arith.addi %mul3A_501, %add3A_502 : i32
        %get3A_504 = arith.index_cast %add3A_503 : i32 to index
        %get3A_505 = arith.constant 16 : index
        %get3A_506 = tpu.vector_load %arg6[%get3A_504, %get3A_505] {strides = array<i32>} : memref<256x32xf32, #tpu.memory_space<vmem>>, vector<16xf32>,
        %mul3A_507 = arith.mulf %get3A_426, %get3A_457 : vector<16xf32>
        %add3A_508 = arith.addf %scan3A_388, %mul3A_507 : vector<16xf32>
        %mul3A_509 = arith.mulf %get3A_426, %get3A_464 : vector<16xf32>
        %add3A_510 = arith.addf %scan3A_389, %mul3A_509 : vector<16xf32>
        %mul3A_511 = arith.mulf %get3A_426, %get3A_471 : vector<16xf32>
        %add3A_512 = arith.addf %scan3A_390, %mul3A_511 : vector<16xf32>
        %mul3A_513 = arith.mulf %get3A_426, %get3A_478 : vector<16xf32>
        %add3A_514 = arith.addf %scan3A_391, %mul3A_513 : vector<16xf32>
        %mul3A_515 = arith.mulf %get3A_426, %get3A_485 : vector<16xf32>
        %add3A_516 = arith.addf %scan3A_392, %mul3A_515 : vector<16xf32>
        %mul3A_517 = arith.mulf %get3A_426, %get3A_492 : vector<16xf32>
        %add3A_518 = arith.addf %scan3A_393, %mul3A_517 : vector<16xf32>
        %mul3A_519 = arith.mulf %get3A_426, %get3A_499 : vector<16xf32>
        %add3A_520 = arith.addf %scan3A_394, %mul3A_519 : vector<16xf32>
        %mul3A_521 = arith.mulf %get3A_426, %get3A_506 : vector<16xf32>
        %add3A_522 = arith.addf %scan3A_395, %mul3A_521 : vector<16xf32>
        %mul3A_523 = arith.mulf %get3A_434, %get3A_457 : vector<16xf32>
        %add3A_524 = arith.addf %scan3A_396, %mul3A_523 : vector<16xf32>
        %mul3A_525 = arith.mulf %get3A_434, %get3A_464 : vector<16xf32>
        %add3A_526 = arith.addf %scan3A_397, %mul3A_525 : vector<16xf32>
        %mul3A_527 = arith.mulf %get3A_434, %get3A_471 : vector<16xf32>
        %add3A_528 = arith.addf %scan3A_398, %mul3A_527 : vector<16xf32>
        %mul3A_529 = arith.mulf %get3A_434, %get3A_478 : vector<16xf32>
        %add3A_530 = arith.addf %scan3A_399, %mul3A_529 : vector<16xf32>
        %mul3A_531 = arith.mulf %get3A_434, %get3A_485 : vector<16xf32>
        %add3A_532 = arith.addf %scan3A_400, %mul3A_531 : vector<16xf32>
        %mul3A_533 = arith.mulf %get3A_434, %get3A_492 : vector<16xf32>
        %add3A_534 = arith.addf %scan3A_401, %mul3A_533 : vector<16xf32>
        %mul3A_535 = arith.mulf %get3A_434, %get3A_499 : vector<16xf32>
        %add3A_536 = arith.addf %scan3A_402, %mul3A_535 : vector<16xf32>
        %mul3A_537 = arith.mulf %get3A_434, %get3A_506 : vector<16xf32>
        %add3A_538 = arith.addf %scan3A_403, %mul3A_537 : vector<16xf32>
        %mul3A_539 = arith.mulf %get3A_442, %get3A_457 : vector<16xf32>
        %add3A_540 = arith.addf %scan3A_404, %mul3A_539 : vector<16xf32>
        %mul3A_541 = arith.mulf %get3A_442, %get3A_464 : vector<16xf32>
        %add3A_542 = arith.addf %scan3A_405, %mul3A_541 : vector<16xf32>
        %mul3A_543 = arith.mulf %get3A_442, %get3A_471 : vector<16xf32>
        %add3A_544 = arith.addf %scan3A_406, %mul3A_543 : vector<16xf32>
        %mul3A_545 = arith.mulf %get3A_442, %get3A_478 : vector<16xf32>
        %add3A_546 = arith.addf %scan3A_407, %mul3A_545 : vector<16xf32>
        %mul3A_547 = arith.mulf %get3A_442, %get3A_485 : vector<16xf32>
        %add3A_548 = arith.addf %scan3A_408, %mul3A_547 : vector<16xf32>
        %mul3A_549 = arith.mulf %get3A_442, %get3A_492 : vector<16xf32>
        %add3A_550 = arith.addf %scan3A_409, %mul3A_549 : vector<16xf32>
        %mul3A_551 = arith.mulf %get3A_442, %get3A_499 : vector<16xf32>
        %add3A_552 = arith.addf %scan3A_410, %mul3A_551 : vector<16xf32>
        %mul3A_553 = arith.mulf %get3A_442, %get3A_506 : vector<16xf32>
        %add3A_554 = arith.addf %scan3A_411, %mul3A_553 : vector<16xf32>
        %mul3A_555 = arith.mulf %get3A_450, %get3A_457 : vector<16xf32>
        %add3A_556 = arith.addf %scan3A_412, %mul3A_555 : vector<16xf32>
        %mul3A_557 = arith.mulf %get3A_450, %get3A_464 : vector<16xf32>
        %add3A_558 = arith.addf %scan3A_413, %mul3A_557 : vector<16xf32>
        %mul3A_559 = arith.mulf %get3A_450, %get3A_471 : vector<16xf32>
        %add3A_560 = arith.addf %scan3A_414, %mul3A_559 : vector<16xf32>
        %mul3A_561 = arith.mulf %get3A_450, %get3A_478 : vector<16xf32>
        %add3A_562 = arith.addf %scan3A_415, %mul3A_561 : vector<16xf32>
        %mul3A_563 = arith.mulf %get3A_450, %get3A_485 : vector<16xf32>
        %add3A_564 = arith.addf %scan3A_416, %mul3A_563 : vector<16xf32>
        %mul3A_565 = arith.mulf %get3A_450, %get3A_492 : vector<16xf32>
        %add3A_566 = arith.addf %scan3A_417, %mul3A_565 : vector<16xf32>
        %mul3A_567 = arith.mulf %get3A_450, %get3A_499 : vector<16xf32>
        %add3A_568 = arith.addf %scan3A_418, %mul3A_567 : vector<16xf32>
        %mul3A_569 = arith.mulf %get3A_450, %get3A_506 : vector<16xf32>
        %add3A_570 = arith.addf %scan3A_419, %mul3A_569 : vector<16xf32>
        scf.yield %add3A_508, %add3A_510, %add3A_512, %add3A_514, %add3A_516, %add3A_518, %add3A_520, %add3A_522, %add3A_524, %add3A_526, %add3A_528, %add3A_530, %add3A_532, %add3A_534, %add3A_536, %add3A_538, %add3A_540, %add3A_542, %add3A_544, %add3A_546, %add3A_548, %add3A_550, %add3A_552, %add3A_554, %add3A_556, %add3A_558, %add3A_560, %add3A_562, %add3A_564, %add3A_566, %add3A_568, %add3A_570 : vector<16xf32>, vector<16xf32>, vector<16xf32>, vector<16xf32>, vector<16xf32>, vector<16xf32>, vector<16xf32>, vector<16xf32>, vector<16xf32>, vector<16xf32>, vector<16xf32>, vector<16xf32>, vector<16xf32>, vector<16xf32>, vector<16xf32>, vector<16xf32>, vector<16xf32>, vector<16xf32>, vector<16xf32>, vector<16xf32>, vector<16xf32>, vector<16xf32>, vector<16xf32>, vector<16xf32>, vector<16xf32>, vector<16xf32>, vector<16xf32>, vector<16xf32>, vector<16xf32>, vector<16xf32>, vector<16xf32>, vector<16xf32>
      }
      %scan3A_99 = arith.constant 32 : i32
      %add3A_100 = arith.constant 0 : i32
      %add3A_101 = arith.addi %mul3A_30, %add3A_100 : i32
      %mul3A_102 = arith.constant 8 : i32
      %mul3A_103 = arith.muli %add3A_101, %mul3A_102 : i32
      %add3A_104 = arith.constant 0 : i32
      %add3A_105 = arith.addi %mul3A_103, %add3A_104 : i32
      %swap3A = arith.index_cast %add3A_105 : i32 to index
      %swap3A_106 = arith.constant 16 : index
      %swap3A_107 = tpu.vector_load %arg7[%swap3A, %swap3A_106] {strides = array<i32>} : memref<256x32xf32, #tpu.memory_space<vmem>>, vector<16xf32>,
      tpu.vector_store %arg7[%swap3A, %swap3A_106], %scan3A_98#0 {strides = array<i32>} : memref<256x32xf32, #tpu.memory_space<vmem>>, vector<16xf32>,
      %add3A_108 = arith.constant 0 : i32
      %add3A_109 = arith.addi %mul3A_30, %add3A_108 : i32
      %mul3A_110 = arith.constant 8 : i32
      %mul3A_111 = arith.muli %add3A_109, %mul3A_110 : i32
      %add3A_112 = arith.constant 1 : i32
      %add3A_113 = arith.addi %mul3A_111, %add3A_112 : i32
      %swap3A_114 = arith.index_cast %add3A_113 : i32 to index
      %swap3A_115 = arith.constant 16 : index
      %swap3A_116 = tpu.vector_load %arg7[%swap3A_114, %swap3A_115] {strides = array<i32>} : memref<256x32xf32, #tpu.memory_space<vmem>>, vector<16xf32>,
      tpu.vector_store %arg7[%swap3A_114, %swap3A_115], %scan3A_98#1 {strides = array<i32>} : memref<256x32xf32, #tpu.memory_space<vmem>>, vector<16xf32>,
      %add3A_117 = arith.constant 0 : i32
      %add3A_118 = arith.addi %mul3A_30, %add3A_117 : i32
      %mul3A_119 = arith.constant 8 : i32
      %mul3A_120 = arith.muli %add3A_118, %mul3A_119 : i32
      %add3A_121 = arith.constant 2 : i32
      %add3A_122 = arith.addi %mul3A_120, %add3A_121 : i32
      %swap3A_123 = arith.index_cast %add3A_122 : i32 to index
      %swap3A_124 = arith.constant 16 : index
      %swap3A_125 = tpu.vector_load %arg7[%swap3A_123, %swap3A_124] {strides = array<i32>} : memref<256x32xf32, #tpu.memory_space<vmem>>, vector<16xf32>,
      tpu.vector_store %arg7[%swap3A_123, %swap3A_124], %scan3A_98#2 {strides = array<i32>} : memref<256x32xf32, #tpu.memory_space<vmem>>, vector<16xf32>,
      %add3A_126 = arith.constant 0 : i32
      %add3A_127 = arith.addi %mul3A_30, %add3A_126 : i32
      %mul3A_128 = arith.constant 8 : i32
      %mul3A_129 = arith.muli %add3A_127, %mul3A_128 : i32
      %add3A_130 = arith.constant 3 : i32
      %add3A_131 = arith.addi %mul3A_129, %add3A_130 : i32
      %swap3A_132 = arith.index_cast %add3A_131 : i32 to index
      %swap3A_133 = arith.constant 16 : index
      %swap3A_134 = tpu.vector_load %arg7[%swap3A_132, %swap3A_133] {strides = array<i32>} : memref<256x32xf32, #tpu.memory_space<vmem>>, vector<16xf32>,
      tpu.vector_store %arg7[%swap3A_132, %swap3A_133], %scan3A_98#3 {strides = array<i32>} : memref<256x32xf32, #tpu.memory_space<vmem>>, vector<16xf32>,
      %add3A_135 = arith.constant 0 : i32
      %add3A_136 = arith.addi %mul3A_30, %add3A_135 : i32
      %mul3A_137 = arith.constant 8 : i32
      %mul3A_138 = arith.muli %add3A_136, %mul3A_137 : i32
      %add3A_139 = arith.constant 4 : i32
      %add3A_140 = arith.addi %mul3A_138, %add3A_139 : i32
      %swap3A_141 = arith.index_cast %add3A_140 : i32 to index
      %swap3A_142 = arith.constant 16 : index
      %swap3A_143 = tpu.vector_load %arg7[%swap3A_141, %swap3A_142] {strides = array<i32>} : memref<256x32xf32, #tpu.memory_space<vmem>>, vector<16xf32>,
      tpu.vector_store %arg7[%swap3A_141, %swap3A_142], %scan3A_98#4 {strides = array<i32>} : memref<256x32xf32, #tpu.memory_space<vmem>>, vector<16xf32>,
      %add3A_144 = arith.constant 0 : i32
      %add3A_145 = arith.addi %mul3A_30, %add3A_144 : i32
      %mul3A_146 = arith.constant 8 : i32
      %mul3A_147 = arith.muli %add3A_145, %mul3A_146 : i32
      %add3A_148 = arith.constant 5 : i32
      %add3A_149 = arith.addi %mul3A_147, %add3A_148 : i32
      %swap3A_150 = arith.index_cast %add3A_149 : i32 to index
      %swap3A_151 = arith.constant 16 : index
      %swap3A_152 = tpu.vector_load %arg7[%swap3A_150, %swap3A_151] {strides = array<i32>} : memref<256x32xf32, #tpu.memory_space<vmem>>, vector<16xf32>,
      tpu.vector_store %arg7[%swap3A_150, %swap3A_151], %scan3A_98#5 {strides = array<i32>} : memref<256x32xf32, #tpu.memory_space<vmem>>, vector<16xf32>,
      %add3A_153 = arith.constant 0 : i32
      %add3A_154 = arith.addi %mul3A_30, %add3A_153 : i32
      %mul3A_155 = arith.constant 8 : i32
      %mul3A_156 = arith.muli %add3A_154, %mul3A_155 : i32
      %add3A_157 = arith.constant 6 : i32
      %add3A_158 = arith.addi %mul3A_156, %add3A_157 : i32
      %swap3A_159 = arith.index_cast %add3A_158 : i32 to index
      %swap3A_160 = arith.constant 16 : index
      %swap3A_161 = tpu.vector_load %arg7[%swap3A_159, %swap3A_160] {strides = array<i32>} : memref<256x32xf32, #tpu.memory_space<vmem>>, vector<16xf32>,
      tpu.vector_store %arg7[%swap3A_159, %swap3A_160], %scan3A_98#6 {strides = array<i32>} : memref<256x32xf32, #tpu.memory_space<vmem>>, vector<16xf32>,
      %add3A_162 = arith.constant 0 : i32
      %add3A_163 = arith.addi %mul3A_30, %add3A_162 : i32
      %mul3A_164 = arith.constant 8 : i32
      %mul3A_165 = arith.muli %add3A_163, %mul3A_164 : i32
      %add3A_166 = arith.constant 7 : i32
      %add3A_167 = arith.addi %mul3A_165, %add3A_166 : i32
      %swap3A_168 = arith.index_cast %add3A_167 : i32 to index
      %swap3A_169 = arith.constant 16 : index
      %swap3A_170 = tpu.vector_load %arg7[%swap3A_168, %swap3A_169] {strides = array<i32>} : memref<256x32xf32, #tpu.memory_space<vmem>>, vector<16xf32>,
      tpu.vector_store %arg7[%swap3A_168, %swap3A_169], %scan3A_98#7 {strides = array<i32>} : memref<256x32xf32, #tpu.memory_space<vmem>>, vector<16xf32>,
      %add3A_171 = arith.constant 1 : i32
      %add3A_172 = arith.addi %mul3A_30, %add3A_171 : i32
      %mul3A_173 = arith.constant 8 : i32
      %mul3A_174 = arith.muli %add3A_172, %mul3A_173 : i32
      %add3A_175 = arith.constant 0 : i32
      %add3A_176 = arith.addi %mul3A_174, %add3A_175 : i32
      %swap3A_177 = arith.index_cast %add3A_176 : i32 to index
      %swap3A_178 = arith.constant 16 : index
      %swap3A_179 = tpu.vector_load %arg7[%swap3A_177, %swap3A_178] {strides = array<i32>} : memref<256x32xf32, #tpu.memory_space<vmem>>, vector<16xf32>,
      tpu.vector_store %arg7[%swap3A_177, %swap3A_178], %scan3A_98#8 {strides = array<i32>} : memref<256x32xf32, #tpu.memory_space<vmem>>, vector<16xf32>,
      %add3A_180 = arith.constant 1 : i32
      %add3A_181 = arith.addi %mul3A_30, %add3A_180 : i32
      %mul3A_182 = arith.constant 8 : i32
      %mul3A_183 = arith.muli %add3A_181, %mul3A_182 : i32
      %add3A_184 = arith.constant 1 : i32
      %add3A_185 = arith.addi %mul3A_183, %add3A_184 : i32
      %swap3A_186 = arith.index_cast %add3A_185 : i32 to index
      %swap3A_187 = arith.constant 16 : index
      %swap3A_188 = tpu.vector_load %arg7[%swap3A_186, %swap3A_187] {strides = array<i32>} : memref<256x32xf32, #tpu.memory_space<vmem>>, vector<16xf32>,
      tpu.vector_store %arg7[%swap3A_186, %swap3A_187], %scan3A_98#9 {strides = array<i32>} : memref<256x32xf32, #tpu.memory_space<vmem>>, vector<16xf32>,
      %add3A_189 = arith.constant 1 : i32
      %add3A_190 = arith.addi %mul3A_30, %add3A_189 : i32
      %mul3A_191 = arith.constant 8 : i32
      %mul3A_192 = arith.muli %add3A_190, %mul3A_191 : i32
      %add3A_193 = arith.constant 2 : i32
      %add3A_194 = arith.addi %mul3A_192, %add3A_193 : i32
      %swap3A_195 = arith.index_cast %add3A_194 : i32 to index
      %swap3A_196 = arith.constant 16 : index
      %swap3A_197 = tpu.vector_load %arg7[%swap3A_195, %swap3A_196] {strides = array<i32>} : memref<256x32xf32, #tpu.memory_space<vmem>>, vector<16xf32>,
      tpu.vector_store %arg7[%swap3A_195, %swap3A_196], %scan3A_98#10 {strides = array<i32>} : memref<256x32xf32, #tpu.memory_space<vmem>>, vector<16xf32>,
      %add3A_198 = arith.constant 1 : i32
      %add3A_199 = arith.addi %mul3A_30, %add3A_198 : i32
      %mul3A_200 = arith.constant 8 : i32
      %mul3A_201 = arith.muli %add3A_199, %mul3A_200 : i32
      %add3A_202 = arith.constant 3 : i32
      %add3A_203 = arith.addi %mul3A_201, %add3A_202 : i32
      %swap3A_204 = arith.index_cast %add3A_203 : i32 to index
      %swap3A_205 = arith.constant 16 : index
      %swap3A_206 = tpu.vector_load %arg7[%swap3A_204, %swap3A_205] {strides = array<i32>} : memref<256x32xf32, #tpu.memory_space<vmem>>, vector<16xf32>,
      tpu.vector_store %arg7[%swap3A_204, %swap3A_205], %scan3A_98#11 {strides = array<i32>} : memref<256x32xf32, #tpu.memory_space<vmem>>, vector<16xf32>,
      %add3A_207 = arith.constant 1 : i32
      %add3A_208 = arith.addi %mul3A_30, %add3A_207 : i32
      %mul3A_209 = arith.constant 8 : i32
      %mul3A_210 = arith.muli %add3A_208, %mul3A_209 : i32
      %add3A_211 = arith.constant 4 : i32
      %add3A_212 = arith.addi %mul3A_210, %add3A_211 : i32
      %swap3A_213 = arith.index_cast %add3A_212 : i32 to index
      %swap3A_214 = arith.constant 16 : index
      %swap3A_215 = tpu.vector_load %arg7[%swap3A_213, %swap3A_214] {strides = array<i32>} : memref<256x32xf32, #tpu.memory_space<vmem>>, vector<16xf32>,
      tpu.vector_store %arg7[%swap3A_213, %swap3A_214], %scan3A_98#12 {strides = array<i32>} : memref<256x32xf32, #tpu.memory_space<vmem>>, vector<16xf32>,
      %add3A_216 = arith.constant 1 : i32
      %add3A_217 = arith.addi %mul3A_30, %add3A_216 : i32
      %mul3A_218 = arith.constant 8 : i32
      %mul3A_219 = arith.muli %add3A_217, %mul3A_218 : i32
      %add3A_220 = arith.constant 5 : i32
      %add3A_221 = arith.addi %mul3A_219, %add3A_220 : i32
      %swap3A_222 = arith.index_cast %add3A_221 : i32 to index
      %swap3A_223 = arith.constant 16 : index
      %swap3A_224 = tpu.vector_load %arg7[%swap3A_222, %swap3A_223] {strides = array<i32>} : memref<256x32xf32, #tpu.memory_space<vmem>>, vector<16xf32>,
      tpu.vector_store %arg7[%swap3A_222, %swap3A_223], %scan3A_98#13 {strides = array<i32>} : memref<256x32xf32, #tpu.memory_space<vmem>>, vector<16xf32>,
      %add3A_225 = arith.constant 1 : i32
      %add3A_226 = arith.addi %mul3A_30, %add3A_225 : i32
      %mul3A_227 = arith.constant 8 : i32
      %mul3A_228 = arith.muli %add3A_226, %mul3A_227 : i32
      %add3A_229 = arith.constant 6 : i32
      %add3A_230 = arith.addi %mul3A_228, %add3A_229 : i32
      %swap3A_231 = arith.index_cast %add3A_230 : i32 to index
      %swap3A_232 = arith.constant 16 : index
      %swap3A_233 = tpu.vector_load %arg7[%swap3A_231, %swap3A_232] {strides = array<i32>} : memref<256x32xf32, #tpu.memory_space<vmem>>, vector<16xf32>,
      tpu.vector_store %arg7[%swap3A_231, %swap3A_232], %scan3A_98#14 {strides = array<i32>} : memref<256x32xf32, #tpu.memory_space<vmem>>, vector<16xf32>,
      %add3A_234 = arith.constant 1 : i32
      %add3A_235 = arith.addi %mul3A_30, %add3A_234 : i32
      %mul3A_236 = arith.constant 8 : i32
      %mul3A_237 = arith.muli %add3A_235, %mul3A_236 : i32
      %add3A_238 = arith.constant 7 : i32
      %add3A_239 = arith.addi %mul3A_237, %add3A_238 : i32
      %swap3A_240 = arith.index_cast %add3A_239 : i32 to index
      %swap3A_241 = arith.constant 16 : index
      %swap3A_242 = tpu.vector_load %arg7[%swap3A_240, %swap3A_241] {strides = array<i32>} : memref<256x32xf32, #tpu.memory_space<vmem>>, vector<16xf32>,
      tpu.vector_store %arg7[%swap3A_240, %swap3A_241], %scan3A_98#15 {strides = array<i32>} : memref<256x32xf32, #tpu.memory_space<vmem>>, vector<16xf32>,
      %add3A_243 = arith.constant 2 : i32
      %add3A_244 = arith.addi %mul3A_30, %add3A_243 : i32
      %mul3A_245 = arith.constant 8 : i32
      %mul3A_246 = arith.muli %add3A_244, %mul3A_245 : i32
      %add3A_247 = arith.constant 0 : i32
      %add3A_248 = arith.addi %mul3A_246, %add3A_247 : i32
      %swap3A_249 = arith.index_cast %add3A_248 : i32 to index
      %swap3A_250 = arith.constant 16 : index
      %swap3A_251 = tpu.vector_load %arg7[%swap3A_249, %swap3A_250] {strides = array<i32>} : memref<256x32xf32, #tpu.memory_space<vmem>>, vector<16xf32>,
      tpu.vector_store %arg7[%swap3A_249, %swap3A_250], %scan3A_98#16 {strides = array<i32>} : memref<256x32xf32, #tpu.memory_space<vmem>>, vector<16xf32>,
      %add3A_252 = arith.constant 2 : i32
      %add3A_253 = arith.addi %mul3A_30, %add3A_252 : i32
      %mul3A_254 = arith.constant 8 : i32
      %mul3A_255 = arith.muli %add3A_253, %mul3A_254 : i32
      %add3A_256 = arith.constant 1 : i32
      %add3A_257 = arith.addi %mul3A_255, %add3A_256 : i32
      %swap3A_258 = arith.index_cast %add3A_257 : i32 to index
      %swap3A_259 = arith.constant 16 : index
      %swap3A_260 = tpu.vector_load %arg7[%swap3A_258, %swap3A_259] {strides = array<i32>} : memref<256x32xf32, #tpu.memory_space<vmem>>, vector<16xf32>,
      tpu.vector_store %arg7[%swap3A_258, %swap3A_259], %scan3A_98#17 {strides = array<i32>} : memref<256x32xf32, #tpu.memory_space<vmem>>, vector<16xf32>,
      %add3A_261 = arith.constant 2 : i32
      %add3A_262 = arith.addi %mul3A_30, %add3A_261 : i32
      %mul3A_263 = arith.constant 8 : i32
      %mul3A_264 = arith.muli %add3A_262, %mul3A_263 : i32
      %add3A_265 = arith.constant 2 : i32
      %add3A_266 = arith.addi %mul3A_264, %add3A_265 : i32
      %swap3A_267 = arith.index_cast %add3A_266 : i32 to index
      %swap3A_268 = arith.constant 16 : index
      %swap3A_269 = tpu.vector_load %arg7[%swap3A_267, %swap3A_268] {strides = array<i32>} : memref<256x32xf32, #tpu.memory_space<vmem>>, vector<16xf32>,
      tpu.vector_store %arg7[%swap3A_267, %swap3A_268], %scan3A_98#18 {strides = array<i32>} : memref<256x32xf32, #tpu.memory_space<vmem>>, vector<16xf32>,
      %add3A_270 = arith.constant 2 : i32
      %add3A_271 = arith.addi %mul3A_30, %add3A_270 : i32
      %mul3A_272 = arith.constant 8 : i32
      %mul3A_273 = arith.muli %add3A_271, %mul3A_272 : i32
      %add3A_274 = arith.constant 3 : i32
      %add3A_275 = arith.addi %mul3A_273, %add3A_274 : i32
      %swap3A_276 = arith.index_cast %add3A_275 : i32 to index
      %swap3A_277 = arith.constant 16 : index
      %swap3A_278 = tpu.vector_load %arg7[%swap3A_276, %swap3A_277] {strides = array<i32>} : memref<256x32xf32, #tpu.memory_space<vmem>>, vector<16xf32>,
      tpu.vector_store %arg7[%swap3A_276, %swap3A_277], %scan3A_98#19 {strides = array<i32>} : memref<256x32xf32, #tpu.memory_space<vmem>>, vector<16xf32>,
      %add3A_279 = arith.constant 2 : i32
      %add3A_280 = arith.addi %mul3A_30, %add3A_279 : i32
      %mul3A_281 = arith.constant 8 : i32
      %mul3A_282 = arith.muli %add3A_280, %mul3A_281 : i32
      %add3A_283 = arith.constant 4 : i32
      %add3A_284 = arith.addi %mul3A_282, %add3A_283 : i32
      %swap3A_285 = arith.index_cast %add3A_284 : i32 to index
      %swap3A_286 = arith.constant 16 : index
      %swap3A_287 = tpu.vector_load %arg7[%swap3A_285, %swap3A_286] {strides = array<i32>} : memref<256x32xf32, #tpu.memory_space<vmem>>, vector<16xf32>,
      tpu.vector_store %arg7[%swap3A_285, %swap3A_286], %scan3A_98#20 {strides = array<i32>} : memref<256x32xf32, #tpu.memory_space<vmem>>, vector<16xf32>,
      %add3A_288 = arith.constant 2 : i32
      %add3A_289 = arith.addi %mul3A_30, %add3A_288 : i32
      %mul3A_290 = arith.constant 8 : i32
      %mul3A_291 = arith.muli %add3A_289, %mul3A_290 : i32
      %add3A_292 = arith.constant 5 : i32
      %add3A_293 = arith.addi %mul3A_291, %add3A_292 : i32
      %swap3A_294 = arith.index_cast %add3A_293 : i32 to index
      %swap3A_295 = arith.constant 16 : index
      %swap3A_296 = tpu.vector_load %arg7[%swap3A_294, %swap3A_295] {strides = array<i32>} : memref<256x32xf32, #tpu.memory_space<vmem>>, vector<16xf32>,
      tpu.vector_store %arg7[%swap3A_294, %swap3A_295], %scan3A_98#21 {strides = array<i32>} : memref<256x32xf32, #tpu.memory_space<vmem>>, vector<16xf32>,
      %add3A_297 = arith.constant 2 : i32
      %add3A_298 = arith.addi %mul3A_30, %add3A_297 : i32
      %mul3A_299 = arith.constant 8 : i32
      %mul3A_300 = arith.muli %add3A_298, %mul3A_299 : i32
      %add3A_301 = arith.constant 6 : i32
      %add3A_302 = arith.addi %mul3A_300, %add3A_301 : i32
      %swap3A_303 = arith.index_cast %add3A_302 : i32 to index
      %swap3A_304 = arith.constant 16 : index
      %swap3A_305 = tpu.vector_load %arg7[%swap3A_303, %swap3A_304] {strides = array<i32>} : memref<256x32xf32, #tpu.memory_space<vmem>>, vector<16xf32>,
      tpu.vector_store %arg7[%swap3A_303, %swap3A_304], %scan3A_98#22 {strides = array<i32>} : memref<256x32xf32, #tpu.memory_space<vmem>>, vector<16xf32>,
      %add3A_306 = arith.constant 2 : i32
      %add3A_307 = arith.addi %mul3A_30, %add3A_306 : i32
      %mul3A_308 = arith.constant 8 : i32
      %mul3A_309 = arith.muli %add3A_307, %mul3A_308 : i32
      %add3A_310 = arith.constant 7 : i32
      %add3A_311 = arith.addi %mul3A_309, %add3A_310 : i32
      %swap3A_312 = arith.index_cast %add3A_311 : i32 to index
      %swap3A_313 = arith.constant 16 : index
      %swap3A_314 = tpu.vector_load %arg7[%swap3A_312, %swap3A_313] {strides = array<i32>} : memref<256x32xf32, #tpu.memory_space<vmem>>, vector<16xf32>,
      tpu.vector_store %arg7[%swap3A_312, %swap3A_313], %scan3A_98#23 {strides = array<i32>} : memref<256x32xf32, #tpu.memory_space<vmem>>, vector<16xf32>,
      %add3A_315 = arith.constant 3 : i32
      %add3A_316 = arith.addi %mul3A_30, %add3A_315 : i32
      %mul3A_317 = arith.constant 8 : i32
      %mul3A_318 = arith.muli %add3A_316, %mul3A_317 : i32
      %add3A_319 = arith.constant 0 : i32
      %add3A_320 = arith.addi %mul3A_318, %add3A_319 : i32
      %swap3A_321 = arith.index_cast %add3A_320 : i32 to index
      %swap3A_322 = arith.constant 16 : index
      %swap3A_323 = tpu.vector_load %arg7[%swap3A_321, %swap3A_322] {strides = array<i32>} : memref<256x32xf32, #tpu.memory_space<vmem>>, vector<16xf32>,
      tpu.vector_store %arg7[%swap3A_321, %swap3A_322], %scan3A_98#24 {strides = array<i32>} : memref<256x32xf32, #tpu.memory_space<vmem>>, vector<16xf32>,
      %add3A_324 = arith.constant 3 : i32
      %add3A_325 = arith.addi %mul3A_30, %add3A_324 : i32
      %mul3A_326 = arith.constant 8 : i32
      %mul3A_327 = arith.muli %add3A_325, %mul3A_326 : i32
      %add3A_328 = arith.constant 1 : i32
      %add3A_329 = arith.addi %mul3A_327, %add3A_328 : i32
      %swap3A_330 = arith.index_cast %add3A_329 : i32 to index
      %swap3A_331 = arith.constant 16 : index
      %swap3A_332 = tpu.vector_load %arg7[%swap3A_330, %swap3A_331] {strides = array<i32>} : memref<256x32xf32, #tpu.memory_space<vmem>>, vector<16xf32>,
      tpu.vector_store %arg7[%swap3A_330, %swap3A_331], %scan3A_98#25 {strides = array<i32>} : memref<256x32xf32, #tpu.memory_space<vmem>>, vector<16xf32>,
      %add3A_333 = arith.constant 3 : i32
      %add3A_334 = arith.addi %mul3A_30, %add3A_333 : i32
      %mul3A_335 = arith.constant 8 : i32
      %mul3A_336 = arith.muli %add3A_334, %mul3A_335 : i32
      %add3A_337 = arith.constant 2 : i32
      %add3A_338 = arith.addi %mul3A_336, %add3A_337 : i32
      %swap3A_339 = arith.index_cast %add3A_338 : i32 to index
      %swap3A_340 = arith.constant 16 : index
      %swap3A_341 = tpu.vector_load %arg7[%swap3A_339, %swap3A_340] {strides = array<i32>} : memref<256x32xf32, #tpu.memory_space<vmem>>, vector<16xf32>,
      tpu.vector_store %arg7[%swap3A_339, %swap3A_340], %scan3A_98#26 {strides = array<i32>} : memref<256x32xf32, #tpu.memory_space<vmem>>, vector<16xf32>,
      %add3A_342 = arith.constant 3 : i32
      %add3A_343 = arith.addi %mul3A_30, %add3A_342 : i32
      %mul3A_344 = arith.constant 8 : i32
      %mul3A_345 = arith.muli %add3A_343, %mul3A_344 : i32
      %add3A_346 = arith.constant 3 : i32
      %add3A_347 = arith.addi %mul3A_345, %add3A_346 : i32
      %swap3A_348 = arith.index_cast %add3A_347 : i32 to index
      %swap3A_349 = arith.constant 16 : index
      %swap3A_350 = tpu.vector_load %arg7[%swap3A_348, %swap3A_349] {strides = array<i32>} : memref<256x32xf32, #tpu.memory_space<vmem>>, vector<16xf32>,
      tpu.vector_store %arg7[%swap3A_348, %swap3A_349], %scan3A_98#27 {strides = array<i32>} : memref<256x32xf32, #tpu.memory_space<vmem>>, vector<16xf32>,
      %add3A_351 = arith.constant 3 : i32
      %add3A_352 = arith.addi %mul3A_30, %add3A_351 : i32
      %mul3A_353 = arith.constant 8 : i32
      %mul3A_354 = arith.muli %add3A_352, %mul3A_353 : i32
      %add3A_355 = arith.constant 4 : i32
      %add3A_356 = arith.addi %mul3A_354, %add3A_355 : i32
      %swap3A_357 = arith.index_cast %add3A_356 : i32 to index
      %swap3A_358 = arith.constant 16 : index
      %swap3A_359 = tpu.vector_load %arg7[%swap3A_357, %swap3A_358] {strides = array<i32>} : memref<256x32xf32, #tpu.memory_space<vmem>>, vector<16xf32>,
      tpu.vector_store %arg7[%swap3A_357, %swap3A_358], %scan3A_98#28 {strides = array<i32>} : memref<256x32xf32, #tpu.memory_space<vmem>>, vector<16xf32>,
      %add3A_360 = arith.constant 3 : i32
      %add3A_361 = arith.addi %mul3A_30, %add3A_360 : i32
      %mul3A_362 = arith.constant 8 : i32
      %mul3A_363 = arith.muli %add3A_361, %mul3A_362 : i32
      %add3A_364 = arith.constant 5 : i32
      %add3A_365 = arith.addi %mul3A_363, %add3A_364 : i32
      %swap3A_366 = arith.index_cast %add3A_365 : i32 to index
      %swap3A_367 = arith.constant 16 : index
      %swap3A_368 = tpu.vector_load %arg7[%swap3A_366, %swap3A_367] {strides = array<i32>} : memref<256x32xf32, #tpu.memory_space<vmem>>, vector<16xf32>,
      tpu.vector_store %arg7[%swap3A_366, %swap3A_367], %scan3A_98#29 {strides = array<i32>} : memref<256x32xf32, #tpu.memory_space<vmem>>, vector<16xf32>,
      %add3A_369 = arith.constant 3 : i32
      %add3A_370 = arith.addi %mul3A_30, %add3A_369 : i32
      %mul3A_371 = arith.constant 8 : i32
      %mul3A_372 = arith.muli %add3A_370, %mul3A_371 : i32
      %add3A_373 = arith.constant 6 : i32
      %add3A_374 = arith.addi %mul3A_372, %add3A_373 : i32
      %swap3A_375 = arith.index_cast %add3A_374 : i32 to index
      %swap3A_376 = arith.constant 16 : index
      %swap3A_377 = tpu.vector_load %arg7[%swap3A_375, %swap3A_376] {strides = array<i32>} : memref<256x32xf32, #tpu.memory_space<vmem>>, vector<16xf32>,
      tpu.vector_store %arg7[%swap3A_375, %swap3A_376], %scan3A_98#30 {strides = array<i32>} : memref<256x32xf32, #tpu.memory_space<vmem>>, vector<16xf32>,
      %add3A_378 = arith.constant 3 : i32
      %add3A_379 = arith.addi %mul3A_30, %add3A_378 : i32
      %mul3A_380 = arith.constant 8 : i32
      %mul3A_381 = arith.muli %add3A_379, %mul3A_380 : i32
      %add3A_382 = arith.constant 7 : i32
      %add3A_383 = arith.addi %mul3A_381, %add3A_382 : i32
      %swap3A_384 = arith.index_cast %add3A_383 : i32 to index
      %swap3A_385 = arith.constant 16 : index
      %swap3A_386 = tpu.vector_load %arg7[%swap3A_384, %swap3A_385] {strides = array<i32>} : memref<256x32xf32, #tpu.memory_space<vmem>>, vector<16xf32>,
      tpu.vector_store %arg7[%swap3A_384, %swap3A_385], %scan3A_98#31 {strides = array<i32>} : memref<256x32xf32, #tpu.memory_space<vmem>>, vector<16xf32>,
    }
    %scan3A_27 = arith.constant 8 : i32
    "tpu.region"() ({
      %run_scoped3A = tpu.sem_alloc : memref<!tpu.dma_semaphore, #tpu.memory_space<semaphore_mem>>
      %dma_start3A_28 = arith.constant 0 : i32
      %dma_start3A_29 = tpu.memref_slice %arg4[%dma_start3A_28, %mul3A_2] : memref<256x1024xf32, #tpu.memory_space<hbm>> -> memref<256x32xf32, #tpu.memory_space<hbm>>
      %dma_start3A_30 = arith.constant 0 : i32
      %dma_start3A_31 = tpu.memref_slice %arg4[%dma_start3A_30, %mul3A_2] : memref<256x1024xf32, #tpu.memory_space<hbm>> -> memref<256x32xf32, #tpu.memory_space<hbm>>
      tpu.enqueue_dma source(%arg7 : memref<256x32xf32, #tpu.memory_space<vmem>>) target(%dma_start3A_31 : memref<256x32xf32, #tpu.memory_space<hbm>>) target_semaphore(%run_scoped3A : memref<!tpu.dma_semaphore, #tpu.memory_space<semaphore_mem>>)
      %dma_wait3A_32 = arith.constant 0 : i32
      %dma_wait3A_33 = tpu.memref_slice %arg4[%dma_wait3A_32, %mul3A_2] : memref<256x1024xf32, #tpu.memory_space<hbm>> -> memref<256x32xf32, #tpu.memory_space<hbm>>
      %dma_wait3A_34 = arith.constant 0 : i32
      %dma_wait3A_35 = tpu.memref_slice %arg4[%dma_wait3A_34, %mul3A_2] : memref<256x1024xf32, #tpu.memory_space<hbm>> -> memref<256x32xf32, #tpu.memory_space<hbm>>
      tpu.wait_dma2 semaphore(%run_scoped3A : memref<!tpu.dma_semaphore, #tpu.memory_space<semaphore_mem>>) src(%arg7 : memref<256x32xf32, #tpu.memory_space<vmem>>) dst(%dma_wait3A_35 : memref<256x32xf32, #tpu.memory_space<hbm>>)
      tpu.yield
    }) : () -> ()
    return
  }
}

</mosaic_0001>

<sc_bundles>
// kernel: kernel.3.cloned.1.call-start
scs
__scs_entry_jumppad:
0x0: {  	(pc) =	sbr.rel $0x88, $3  }
0x1: {  	(tag) =	ssettag $0x0;
	lr =	simm.s32 $0x1  }
0x2: {  	[smem:$0x3F9F] =	sst lr;
	_ =	strace $0xD0000000  }
0x3: {  	_ = 	snop  }
0x4: {  	_ = 	snop  }
0x5: {  	_ = 	snop  }
0x6: {  	_ = 	snop  }
0x7: {  	_ = 	snop  }
__scs_overlays_trampoline_lowered:
0x8: {  	[smem:$0x3FAE] =	sst s0  }
0x9: {  	[smem:$0x3FAF] =	sst s1  }
0xa: {  	[smem:$0x3FB0] =	sst s2  }
0xb: {  	[smem:$0x3FB1] =	sst s3  }
0xc: {  	[smem:$0x3FB2] =	sst s4  }
0xd: {  	[smem:$0x3FB3] =	sst s5  }
0xe: {  	[smem:$0x3FB4] =	sst s6  }
0xf: {  	[smem:$0x3FB5] =	sst s7  }
0x10: {  	[smem:$0x3FB6] =	sst s8  }
0x11: {  	[smem:$0x3FB7] =	sst s9;
	s0 =	simm.s32 @!p0 $0x0  }
0x12: {  	s1 =	sld [smem:$0x3F9D];
	s0 =	simm.s32 @p0 $0x1  }
0x13: {  	[smem:$0x3FB8] =	sst s0;
	s0 =	simm.s32 @!p1 $0x0  }
0x14: {  	s2 =	sld [smem:$0x3F9C];
	s0 =	simm.s32 @p1 $0x1  }
0x15: {  	[smem:$0x3FB9] =	sst s0;
	s0 =	simm.s32 @!p2 $0x0  }
0x16: {  	s3 =	sld [smem:$0x3FDB];
	s0 =	simm.s32 @p2 $0x1  }
0x17: {  	s4 =	simm.s32 $0x1BF5;
	[smem:$0x3FBB] =	sst s0  }
0x18: {  	s0 =	sld [smem:$0x3F9E];
	_ =	swait.ge [sflag:s4], $0x0  }
0x19: {  	s7 =	sld [smem:$0x3F9F]  }
0x1a: {  	s8 =	sadd.s32 $0xFFFFE003, lr  }
0x1b: {  	s9 =	sadd.s32 $0xFFFFFEF7, lr;
	s5 =	simm.s32 $0xFFFFFFFF;
	p2 =	slt.u32 s8, $0xFFFFF086  }
0x1c: {  	p1 =	slt.u32 s9, $0xF7A;
	s5 =	simm.s32 @!p2 $0x0  }
0x1d: {  	s5 =	simm.s32 @p1 $0x1;
	p0 =	seq.s32 s7, s2  }
0x1e: {  	s7 =	smul.u32 @!p0 $0xF7A, s2;
	p2 =	seq.s32 @!p0 s5, $0x0  }
0x1f: {  	s9 =	smul.u32 $0xF7A, s1;
	s8 =	simm.s32 @!p0 $0x1BF5;
	p2 =	por !p2, p0  }
0x20: {  	[sflag:s8] =	ssyncset.s32 @!p0 $0xFFFFF086;
	s6 =	sadd.s32 @!p0 s3, s7;
	s7 =	simm.s32 @!p0 $0x108  }
0x21: {  	s3 =	sadd.s32 s3, s9;
	s6 =	sadd.s32 @!p0 $0x88, s6;
	s7 =	simm.s32 @p2 $0x1082  }
0x22: {  	[simem:s7], [sflag:s8] =	dma.local @!p0 [hbm:s6], $0xF7A  }
0x23: {  	s9 =	sor.u32 $0xD0000000, s2;
	s6 =	simm.s32 $0x108;
	_ =	swait.ge @!p0 [sflag:s8], $0x0  }
0x24: {  	s3 =	sadd.s32 $0x88, s3;
	s6 =	simm.s32 @!p1 $0x1082;
	[sflag:s4] =	ssyncset.s32 $0xFFFFF086  }
0x25: {  	[simem:s6], [sflag:s4] =	dma.local [hbm:s3], $0xF7A  }
0x26: {  	[smem:$0x3F9F] =	sst s1;
	(tag) =	ssettag s2;
	_ =	strace s9  }
0x27: {  	s1 =	sld [smem:$0x3FAF]  }
0x28: {  	s2 =	sld [smem:$0x3FB0]  }
0x29: {  	s4 =	sld [smem:$0x3FB2]  }
0x2a: {  	p0 =	seq.s32 s5, $0x0;
	s5 =	sld [smem:$0x3FB3]  }
0x2b: {  	s6 =	sld [smem:$0x3FB4]  }
0x2c: {  	s7 =	sld [smem:$0x3FB5]  }
0x2d: {  	s3 =	simm.s32 $0x108;
	s8 =	sld [smem:$0x3FB6]  }
0x2e: {  	s3 =	simm.s32 @!p0 $0x1082;
	s9 =	sld [smem:$0x3FB7]  }
0x2f: {  	lr =	sadd.s32 s0, s3;
	s0 =	sld [smem:$0x3FAE]  }
0x30: {  	s3 =	sld [smem:$0x3FB1]  }
0x31: {  	[smem:$0x3FBA] =	sst s10  }
0x32: {  	s10 =	sld [smem:$0x3FB8];
	_ =	sdelay $0x3  }
0x33: {  	p0 =	seq.s32 s10, $0x1;
	s10 =	sld [smem:$0x3FBA];
	_ =	sdelay $0x3  }
0x34: {  	[smem:$0x3FBA] =	sst s10  }
0x35: {  	s10 =	sld [smem:$0x3FB9];
	_ =	sdelay $0x3  }
0x36: {  	p1 =	seq.s32 s10, $0x1;
	s10 =	sld [smem:$0x3FBA];
	_ =	sdelay $0x3  }
0x37: {  	[smem:$0x3FBA] =	sst s10  }
0x38: {  	s10 =	sld [smem:$0x3FBB]  }
0x39: {  	_ = 	snop;
	(pc) =	sbr.ind lr, $3  }
0x3a: {  	_ = 	snop  }
0x3b: {  	_ = 	snop  }
0x3c: {  	p2 =	seq.s32 s10, $0x1;
	s10 =	sld [smem:$0x3FBA]  }
0x3d: {  	_ =	shalt  }
0x3e: {  	_ =	shalt  }
0x3f: {  	_ =	shalt  }
0x40: {  	_ =	shalt  }
0x41: {  	_ =	shalt  }
0x42: {  	_ =	shalt  }
0x43: {  	_ =	shalt  }
0x44: {  	_ =	shalt  }
0x45: {  	_ =	shalt  }
0x46: {  	_ =	shalt  }
0x47: {  	_ =	shalt  }
0x48: {  	_ =	shalt  }
0x49: {  	_ =	shalt  }
0x4a: {  	_ =	shalt  }
0x4b: {  	_ =	shalt  }
0x4c: {  	_ =	shalt  }
0x4d: {  	_ =	shalt  }
0x4e: {  	_ =	shalt  }
0x4f: {  	_ =	shalt  }
0x50: {  	_ =	shalt  }
0x51: {  	_ =	shalt  }
0x52: {  	_ =	shalt  }
0x53: {  	_ =	shalt  }
0x54: {  	_ =	shalt  }
0x55: {  	_ =	shalt  }
0x56: {  	_ =	shalt  }
0x57: {  	_ =	shalt  }
0x58: {  	_ =	shalt  }
0x59: {  	_ =	shalt  }
0x5a: {  	_ =	shalt  }
0x5b: {  	_ =	shalt  }
0x5c: {  	_ =	shalt  }
0x5d: {  	_ =	shalt  }
0x5e: {  	_ =	shalt  }
0x5f: {  	_ =	shalt  }
0x60: {  	_ =	shalt  }
0x61: {  	_ =	shalt  }
0x62: {  	_ =	shalt  }
0x63: {  	_ =	shalt  }
0x64: {  	_ =	shalt  }
0x65: {  	_ =	shalt  }
0x66: {  	_ =	shalt  }
0x67: {  	_ =	shalt  }
0x68: {  	_ =	shalt  }
0x69: {  	_ =	shalt  }
0x6a: {  	_ =	shalt  }
0x6b: {  	_ =	shalt  }
0x6c: {  	_ =	shalt  }
0x6d: {  	_ =	shalt  }
0x6e: {  	_ =	shalt  }
0x6f: {  	_ =	shalt  }
0x70: {  	_ =	shalt  }
0x71: {  	_ =	shalt  }
0x72: {  	_ =	shalt  }
0x73: {  	_ =	shalt  }
0x74: {  	_ =	shalt  }
0x75: {  	_ =	shalt  }
0x76: {  	_ =	shalt  }
0x77: {  	_ =	shalt  }
0x78: {  	_ =	shalt  }
0x79: {  	_ =	shalt  }
0x7a: {  	_ =	shalt  }
0x7b: {  	_ =	shalt  }
0x7c: {  	_ =	shalt  }
0x7d: {  	_ =	shalt  }
0x7e: {  	_ =	shalt  }
0x7f: {  	_ =	shalt  }
0x80: {  	_ =	shalt  }
0x81: {  	_ =	shalt  }
0x82: {  	_ =	shalt  }
0x83: {  	_ =	shalt  }
0x84: {  	_ =	shalt  }
0x85: {  	_ =	shalt  }
0x86: {  	_ =	shalt  }
0x87: {  	_ =	shalt  }
.Lfunc_end0:
.L_simem_size_0:
called_computation_lowered:
.L_overlay_start_0:
0x88: {  	s2 =	sld [smem:$0x3FD9]  }
0x89: {  	s3 =	sld [smem:$0x3FFE];
	_ =	sdelay $0x1  }
0x8a: {  	s1 =	srdreg.scid  }
0x8b: {  	s0 =	sand.u32 $0x1, s1  }
0x8c: {  	s17 =	sshll.u32 s0, $0xA;
	s2 =	sadd.s32 s3, s2  }
0x8d: {  	s2 =	sadd.s32 s2, s17  }
0x8e: {  	[smem:$0x3FC6] =	sst s2  }
0x8f: {  	_ = 	snop  }
0x90: {  	s2 =	sld [smem:$0x3FD0];
	(tm) =	ssettm $0x1  }
0x91: {  	s18 =	sld [smem:$0x3FFB];
	_ =	sdelay $0x3  }
0x92: {  	_ =	strace s18  }
0x93: {  	s3 =	sld [smem:$0x3FFC];
	_ =	sdelay $0x3  }
0x94: {  	_ =	strace s3  }
0x95: {  	s3 =	sld [smem:$0x3FFD];
	_ =	sdelay $0x3  }
0x96: {  	_ =	strace s3  }
0x97: {  	_ =	strace $0x8FFFFFFF  }
0x98: {  	s19 =	sld [smem:$0x3FDB];
	_ =	sdelay $0x1  }
0x99: {  	s4 =	simm.s32 $_scs_section_size  }
0x9a: {  	s5 =	simm.s32 $_size__tile_overlayer_lowered;
	s6 =	simm.s32 $_tile_overlayer_lowered  }
0x9b: {  	s22 =	simm.s32 $0x1BFF;
	s21 =	sshll.u32 s6, $0x1;
	s3 =	sadd.s32 s4, s19  }
0x9c: {  	s7 =	simm.s32 $0x0;
	s20 =	sshll.u32 s5, $0x1;
	s5 =	sadd.s32 s21, s3  }
0x9d: {  	[timem:s7], [sflag:s22] =	dma.local [hbm:s5], s20  }
0x9e: {  	_ =	swait.ge [sflag:s22], s20  }
0x9f: {  	s4 =	ssub.s32 $0x0, s20;
	[sflag:s22] =	ssyncset.done $0x0  }
0xa0: {  	[sflag:s22] =	ssyncadd.s32 s4;
	_ =	sdelay $0x1  }
0xa1: {  	s23 =	simm.s32 $0x1B8B  }
0xa2: {  	_ =	swait.ge [sflag:s23], $0x1  }
0xa3: {  	[sflag:s23] =	ssyncset.done $0x0  }
0xa4: {  	s25 =	simm.s32 $0x1B8E;
	s24 =	sld [smem:$0x3FFE];
	[sflag:s23] =	ssyncadd.s32 $0xFFFFFFFF  }
0xa5: {  	s26 =	simm.s32 $execute0_lowered;
	[smem:$0x3FD2] =	sst s25  }
0xa6: {  	s5 =	sshll.u32 s26, $0x1;
	_ =	strace $0x80000046;
	[dreg:$0x1] =	wrdreg $0xFFFFFFFF  }
0xa7: {  	s28 =	simm.s32 $_size_execute0_lowered;
	s3 =	sadd.s32 s3, s5;
	[dreg:$0x0] =	wrdreg $0x0  }
0xa8: {  	s5 =	sshll.u32 s28, $0x1;
	[dreg:$0x2] =	wrdreg s3  }
0xa9: {  	[dreg:$0x3] =	wrdreg s5  }
0xaa: {  	[dreg:$0x4] =	wrdreg $0xC0  }
0xab: {  	_ =	task [dreg:s7], $0x5FFFF  }
0xac: {  	[dreg:$0x1] =	wrdreg $0xFFFFFFFF  }
0xad: {  	[dreg:$0x0] =	wrdreg $0x60  }
0xae: {  	[dreg:$0x2] =	wrdreg s24  }
0xaf: {  	[dreg:$0x3] =	wrdreg s2  }
0xb0: {  	[dreg:$0x4] =	wrdreg $0x9  }
0xb1: {  	_ =	task.clear_ibuf [dreg:s7], $0x5FFFF;
	_ =	strace $0x90000046  }
0xb2: {  	s29 =	simm.s32 $0x9;
	_ =	strace $0x80000048  }
0xb3: {  	_ =	swait.ge [sflag:s29], $0x1  }
0xb4: {  	[sflag:s29] =	ssyncadd.s32 $0xFFFFFFFF  }
0xb5: {  	_ =	strace $0x90000048  }
0xb6: {  	_ =	sfence  }
0xb7: {  	s30 =	sld [smem:$0x0];
	_ =	sdelay $0x2  }
0xb8: {  	s31 =	sshll.u32 s1, $0xD;
	s1 =	sshrl.u32 s1, $0x2  }
0xb9: {  	s3 =	sand.u32 $0x4000, s31;
	s1 =	sadd.s32 s1, s30  }
0xba: {  	s0 =	sor.u32 s3, s0;
	s1 =	sshll.u32 s1, $0x11  }
0xbb: {  	s0 =	sor.u32 s1, s0  }
0xbc: {  	s0 =	sadd.s32 $0x8F2B, s0  }
0xbd: {  	[sflag:s0] =	ssyncadd.remote.s32 $0x1  }
0xbe: {  	_ =	sfence.sel $0xFFFF  }
0xbf: {  	[dreg:$0x0] =	wrdreg $0xFFFFFFFF;
	(pc) =	sbr.abs _section_cstart, $3  }
0xc0: {  	[dreg:$0x1] =	wrdreg $0xFFFFFFFF  }
0xc1: {  	_ =	task.clear_ibuf [dreg:s7], $0x2FFFF;
	_ =	strace $0x9FFFFFFF  }
0xc2: {  	(tm) =	ssettm $0x7FFFFFFF  }
0xc3: {  	_ =	shalt  }
tec
execute0_lowered:
.L_overlay_start_1:
0x0: {  	(tag) =	ssettag $0x1  }
0x1: {  	s3 =	rddreg [dreg:$0x0]  }
0x2: {  	s4 =	rddreg [dreg:$0x1];
	s2 =	srdreg.scid  }
0x3: {  	s0 =	rddreg [dreg:$0x2];
	s1 =	stileid.u32;
	s9 =	simm.s32 $0x8000  }
0x4: {  	s10 =	simm.s32 $0x1;
	s11 =	simm.s32 $0xA000;
	s12 =	simm.s32 $0x2  }
0x5: {  	s13 =	simm.s32 $0x0;
	s5 =	sand.u32 $0x1, s2;
	s2 =	simm.s32 $0x0  }
0x6: {  	s6 =	sshll.u32 s1, $0x3;
	s7 =	sshll.u32 s5, $0x2;
	s5 =	ssub.s32 $0x2, s5  }
0x7: {  	[smem:$0x7FF] =	sst s2;
	s6 =	sor.u32 s7, s6;
	s31 =	sshrl.u32 s5, $0x1  }
0x8: {  	_ =	strace $0x80000047;
	s7 =	sadd.s32 s6, s3;
	s8 =	ssub.s32 s5, s31  }
0x9: {  	s4 =	sadd.s32 s4, s6;
	s3 =	sadd.s32 $0xC00, s7;
	s5 =	sadd.s32 $0x20C00, s7  }
0xa: {  	s6 =	smax.u32 s8, $0x1;
	s7 =	simm.s32 $0x20;
	s8 =	simm.s32 $0x400  }
.LBB2_1:
0xb: {  	[tilespmem:s2], [sflag:$0x1] =	stream.strided.gather [hbm4b:s3+s7], $0x8000, s8, s7, $0x38;
	[tilespmem:$0xC000] =	vst v63  }
0xc: {  	_ = 	snop  }
0xd: {  	[tilespmem:s9], [sflag:$0x1] =	stream.strided.gather [hbm4b:s4+s7], $0x2000, s8, s7, $0x38;
	[tilespmem:$0xC000] =	vst v63  }
0xe: {  	_ =	swait.ge [sflag:s10], $0x8000  }
0xf: {  	[sflag:s10] =	ssyncset.done $0x0  }
0x10: {  	[sflag:s10] =	ssyncadd.s32 $0xFFFF8000  }
0x11: {  	_ =	swait.ge [sflag:s10], $0x2000  }
0x12: {  	[sflag:s10] =	ssyncset.done $0x0  }
0x13: {  	s14 =	simm.s32 $0xC00;
	s15 =	simm.s32 $0x0;
	[sflag:s10] =	ssyncadd.s32 $0xFFFFE000  }
.LBB2_2:
0x14: {  	s16 =	simm.s32 $0x8080  }
0x15: {  	v20 =	vmov s14;
	v0 =	vld [tilespmem:s16+$0x40]  }
0x16: {  	v9 =	vld [tilespmem:s16+$0xFFFFFFA0]  }
0x17: {  	v12 =	vld [tilespmem:s16+$0xFFFFFFE0]  }
0x18: {  	v11 =	vld [tilespmem:s16+$0x0]  }
0x19: {  	s17 =	simm.s32 $0x0;
	v1 =	vld [tilespmem:s16+$0x60]  }
0x1a: {  	v6 =	vld.idx.msk [tilespmem:v20+s17+$0xFFFFFC00 ss:$0x1], $0xffff  }
0x1b: {  	v8 =	vld [tilespmem:s16+$0xFFFFFF80]  }
0x1c: {  	v13 =	vimm.f32 $0.0e+00;
	v29 =	vimm.f32 $0.0e+00;
	v10 =	vld [tilespmem:s16+$0xFFFFFFC0]  }
0x1d: {  	v35 =	vimm.f32 $0.0e+00;
	v34 =	vimm.f32 $0.0e+00;
	v40 =	vimm.f32 $0.0e+00;
	v22 =	vld.idx.msk [tilespmem:v20+s17+$0xFFFFF400 ss:$0x1], $0xffff  }
0x1e: {  	v23 =	vimm.f32 $0.0e+00;
	v28 =	vimm.f32 $0.0e+00;
	v43 =	vimm.f32 $0.0e+00;
	v18 =	vld.idx.msk [tilespmem:v20+s17+$0xFFFFF800 ss:$0x1], $0xffff  }
0x1f: {  	v32 =	vimm.f32 $0.0e+00;
	v39 =	vimm.f32 $0.0e+00;
	v15 =	vld [tilespmem:s16+$0x20];
	v3 =	vmul.f32 v0, v6  }
0x20: {  	v38 =	vimm.f32 $0.0e+00;
	v2 =	vld.idx.msk [tilespmem:v20+s17+$0x0 ss:$0x1], $0xffff;
	v4 =	vmul.f32 v12, v6;
	v5 =	vmul.f32 v11, v6  }
0x21: {  	v30 =	vimm.f32 $0.0e+00;
	v16 =	vmul.f32 v9, v6;
	v7 =	vmul.f32 v10, v6  }
0x22: {  	v25 =	vimm.f32 $0.0e+00;
	v17 =	vmul.f32 v1, v6;
	v14 =	vmul.f32 v8, v22  }
0x23: {  	v42 =	vimm.f32 $0.0e+00;
	v44 =	vmul.f32 v9, v22;
	v45 =	vmul.f32 v8, v18  }
0x24: {  	v31 =	vimm.f32 $0.0e+00;
	v19 =	vmul.f32 v8, v6;
	v36 =	vmul.f32 v15, v6  }
0x25: {  	v41 =	vimm.f32 $0.0e+00;
	v8 =	vmul.f32 v8, v2;
	v26 =	vmul.f32 v9, v2  }
0x26: {  	v33 =	vimm.f32 $0.0e+00;
	v46 =	vmul.f32 v15, v22;
	v48 =	vmul.f32 v10, v18  }
0x27: {  	v24 =	vimm.f32 $0.0e+00;
	v21 =	vmul.f32 v12, v2;
	v50 =	vmul.f32 v10, v22  }
0x28: {  	v37 =	vmul.f32 v1, v18;
	v3 =	vadd.f32 v3, v13;
	v4 =	vadd.f32 v4, v13  }
0x29: {  	v49 =	vmul.f32 v9, v18;
	v5 =	vadd.f32 v5, v13;
	v7 =	vadd.f32 v7, v13  }
0x2a: {  	v47 =	vmul.f32 v11, v2;
	v27 =	vadd.f32 v14, v13;
	v14 =	vadd.f32 v19, v13  }
0x2b: {  	v6 =	vadd.f32 v17, v13;
	v17 =	vmul.f32 v10, v2;
	v8 =	vadd.f32 v8, v13  }
0x2c: {  	v19 =	vadd.f32 v16, v13;
	v9 =	vadd.f32 v21, v13;
	v16 =	vimm.f32 $0.0e+00  }
0x2d: {  	s16 =	simm.s32 $0x80;
	s17 =	simm.s32 $0x8180;
	v21 =	vimm.f32 $0.0e+00;
	v10 =	vadd.f32 v17, v13;
	v17 =	vimm.f32 $0.0e+00  }
.LBB2_3:
0x2e: {  	s18 =	sshra.s32 s16, $0x2;
	v51 =	vld [tilespmem:s17+$0x40];
	p0 =	sne.s32 s16, $0xF80;
	s16 =	sadd.s32 $0x80, s16;
	v52 =	vmul.f32 v12, v22;
	v13 =	vadd.f32 v48, v13;
	v48 =	vmul.f32 v15, v2  }
0x2f: {  	v54 =	vmul.f32 v11, v22;
	v53 =	vld [tilespmem:s17+$0xFFFFFFA0];
	v29 =	vadd.f32 v49, v29;
	v49 =	vmul.f32 v12, v18  }
0x30: {  	v34 =	vadd.f32 v45, v34;
	v45 =	vmul.f32 v11, v18;
	v55 =	vld.idx.msk [tilespmem:v20+s18+$0xFFFFFC00 ss:$0x1], $0xffff;
	v35 =	vadd.f32 v52, v35  }
0x31: {  	v40 =	vadd.f32 v50, v40;
	v17 =	vadd.f32 v47, v17;
	v47 =	vmul.f32 v0, v2;
	v12 =	vld [tilespmem:s17+$0xFFFFFFE0]  }
0x32: {  	v15 =	vmul.f32 v15, v18;
	v23 =	vadd.f32 v36, v23;
	v16 =	vadd.f32 v48, v16;
	v11 =	vld [tilespmem:s17+$0x0]  }
0x33: {  	v48 =	vmul.f32 v0, v22;
	v28 =	vadd.f32 v45, v28;
	v45 =	vmul.f32 v0, v18;
	v36 =	vld [tilespmem:s17+$0x60];
	v0 =	vmovc v51  }
0x34: {  	v43 =	vadd.f32 v44, v43;
	v44 =	vmul.f32 v1, v22;
	v32 =	vadd.f32 v49, v32;
	v50 =	vld [tilespmem:s17+$0xFFFFFF80]  }
0x35: {  	v39 =	vadd.f32 v46, v39;
	v1 =	vmul.f32 v1, v2;
	v38 =	vadd.f32 v48, v38;
	v49 =	vld [tilespmem:s17+$0xFFFFFFC0]  }
0x36: {  	v25 =	vadd.f32 v26, v25;
	v30 =	vadd.f32 v15, v30;
	v46 =	vmul.f32 v0, v55;
	v22 =	vld.idx.msk [tilespmem:v20+s18+$0xFFFFF400 ss:$0x1], $0xffff  }
0x37: {  	v42 =	vadd.f32 v54, v42;
	v31 =	vadd.f32 v45, v31;
	v18 =	vld.idx.msk [tilespmem:v20+s18+$0xFFFFF800 ss:$0x1], $0xffff  }
0x38: {  	v41 =	vadd.f32 v44, v41;
	v26 =	vmul.f32 v12, v55;
	v3 =	vadd.f32 v46, v3;
	v2 =	vld.idx.msk [tilespmem:v20+s18+$0x0 ss:$0x1], $0xffff  }
0x39: {  	v33 =	vadd.f32 v37, v33;
	v21 =	vadd.f32 v1, v21;
	v45 =	vmul.f32 v11, v55;
	v1 =	vmovc v36;
	v15 =	vld [tilespmem:s17+$0x20]  }
0x3a: {  	v24 =	vadd.f32 v47, v24;
	v37 =	vmul.f32 v53, v55;
	v4 =	vadd.f32 v26, v4  }
0x3b: {  	v46 =	vmul.f32 v1, v55;
	v26 =	vmul.f32 v49, v55  }
0x3c: {  	v5 =	vadd.f32 v45, v5;
	v36 =	vmul.f32 v50, v22;
	v44 =	vmul.f32 v53, v22  }
0x3d: {  	v47 =	vmul.f32 v50, v55;
	v45 =	vmul.f32 v50, v18;
	v7 =	vadd.f32 v26, v7  }
0x3e: {  	v27 =	vadd.f32 v36, v27;
	v48 =	vmul.f32 v50, v2;
	v36 =	vmul.f32 v15, v55  }
.Ltmp0:
0x3f: {  	v14 =	vadd.f32 v47, v14;
	v6 =	vadd.f32 v46, v6;
	v26 =	vmul.f32 v53, v2;
	(pc) =	sbr.rel @p0 .LBB2_3-.Ltmp0, $4  }
0x40: {  	v47 =	vmul.f32 v49, v2;
	v46 =	vmul.f32 v15, v22;
	v8 =	vadd.f32 v48, v8  }
0x41: {  	v19 =	vadd.f32 v37, v19;
	v51 =	vmul.f32 v12, v2;
	v48 =	vmul.f32 v49, v18  }
0x42: {  	v37 =	vmul.f32 v1, v18;
	v50 =	vmul.f32 v49, v22;
	v10 =	vadd.f32 v47, v10  }
0x43: {  	s17 =	sadd.s32 $0x100, s17;
	v49 =	vmul.f32 v53, v18;
	v9 =	vadd.f32 v51, v9;
	v47 =	vmul.f32 v11, v2  }
0x44: {  	s16 =	sshll.u32 s15, $0xA  }
0x45: {  	v43 =	vadd.f32 v44, v43;
	s16 =	sand.u32 $0x3FFFFC00, s16  }
0x46: {  	v40 =	vadd.f32 v50, v40;
	[tilespmem:s16+$0xA000] =	vst v27  }
0x47: {  	v39 =	vadd.f32 v46, v39;
	[tilespmem:s16+$0xA020] =	vst v43  }
0x48: {  	v46 =	vadd.f32 v45, v34;
	[tilespmem:s16+$0xA040] =	vst v40  }
0x49: {  	v13 =	vadd.f32 v48, v13;
	[tilespmem:s16+$0xA0A0] =	vst v39  }
0x4a: {  	v57 =	vadd.f32 v37, v33;
	[tilespmem:s16+$0xA100] =	vst v46  }
0x4b: {  	[tilespmem:s16+$0xA140] =	vst v13  }
0x4c: {  	[tilespmem:s16+$0xA1E0] =	vst v57  }
0x4d: {  	[tilespmem:s16+$0xA200] =	vst v14  }
0x4e: {  	[tilespmem:s16+$0xA220] =	vst v19  }
0x4f: {  	[tilespmem:s16+$0xA240] =	vst v7  }
0x50: {  	v58 =	vadd.f32 v36, v23;
	[tilespmem:s16+$0xA260] =	vst v4  }
0x51: {  	[tilespmem:s16+$0xA280] =	vst v5  }
0x52: {  	[tilespmem:s16+$0xA2A0] =	vst v58  }
0x53: {  	[tilespmem:s16+$0xA2C0] =	vst v3  }
0x54: {  	v59 =	vadd.f32 v26, v25;
	[tilespmem:s16+$0xA2E0] =	vst v6  }
0x55: {  	[tilespmem:s16+$0xA300] =	vst v8  }
0x56: {  	[tilespmem:s16+$0xA320] =	vst v59  }
0x57: {  	v20 =	vmul.f32 v12, v22;
	v50 =	vadd.f32 v49, v29;
	[tilespmem:s16+$0xA340] =	vst v10  }
0x58: {  	v62 =	vmul.f32 v11, v22;
	v61 =	vadd.f32 v47, v17;
	[tilespmem:s16+$0xA360] =	vst v9  }
0x59: {  	v63 =	vmul.f32 v0, v22;
	v20 =	vadd.f32 v20, v35;
	[tilespmem:s16+$0xA120] =	vst v50  }
0x5a: {  	v51 =	vmul.f32 v12, v18;
	v42 =	vadd.f32 v62, v42;
	[tilespmem:s16+$0xA380] =	vst v61  }
0x5b: {  	v52 =	vmul.f32 v11, v18;
	v44 =	vadd.f32 v63, v38;
	[tilespmem:s16+$0xA060] =	vst v20  }
0x5c: {  	v53 =	vmul.f32 v15, v18;
	v12 =	vadd.f32 v51, v32;
	[tilespmem:s16+$0xA080] =	vst v42  }
0x5d: {  	v54 =	vmul.f32 v0, v18;
	v11 =	vadd.f32 v52, v28;
	[tilespmem:s16+$0xA0C0] =	vst v44  }
0x5e: {  	v60 =	vmul.f32 v15, v2;
	v55 =	vadd.f32 v53, v30;
	[tilespmem:s16+$0xA160] =	vst v12  }
0x5f: {  	s15 =	sadd.s32 $0x1, s15;
	v43 =	vmul.f32 v1, v22;
	v56 =	vadd.f32 v54, v31;
	[tilespmem:s16+$0xA180] =	vst v11  }
0x60: {  	p0 =	sne.s32 s15, $0x8;
	v62 =	vmul.f32 v0, v2;
	v4 =	vadd.f32 v60, v16;
	[tilespmem:s16+$0xA1A0] =	vst v55  }
.Ltmp1:
0x61: {  	v63 =	vmul.f32 v1, v2;
	v22 =	vadd.f32 v43, v41;
	[tilespmem:s16+$0xA1C0] =	vst v56;
	(pc) =	sbr.rel @p0 .LBB2_2-.Ltmp1, $4  }
0x62: {  	v0 =	vadd.f32 v62, v24;
	[tilespmem:s16+$0xA3A0] =	vst v4  }
0x63: {  	v1 =	vadd.f32 v63, v21;
	[tilespmem:s16+$0xA0E0] =	vst v22  }
0x64: {  	[tilespmem:s16+$0xA3C0] =	vst v0  }
0x65: {  	s14 =	sadd.s32 $0x1000, s14;
	[tilespmem:s16+$0xA3E0] =	vst v1  }
0x66: {  	s14 =	simm.s32 $0x0;
	s15 =	simm.s32 $0xC10  }
.LBB2_6:
0x67: {  	s16 =	simm.s32 $0x8090  }
0x68: {  	v20 =	vmov s15;
	v0 =	vld [tilespmem:s16+$0x40]  }
0x69: {  	v9 =	vld [tilespmem:s16+$0xFFFFFFA0]  }
0x6a: {  	v12 =	vld [tilespmem:s16+$0xFFFFFFE0]  }
0x6b: {  	v11 =	vld [tilespmem:s16+$0x0]  }
0x6c: {  	s17 =	simm.s32 $0x0;
	v1 =	vld [tilespmem:s16+$0x60]  }
0x6d: {  	v6 =	vld.idx.msk [tilespmem:v20+s17+$0xFFFFFC00 ss:$0x1], $0xffff  }
0x6e: {  	v8 =	vld [tilespmem:s16+$0xFFFFFF80]  }
0x6f: {  	v13 =	vimm.f32 $0.0e+00;
	v29 =	vimm.f32 $0.0e+00;
	v10 =	vld [tilespmem:s16+$0xFFFFFFC0]  }
0x70: {  	v35 =	vimm.f32 $0.0e+00;
	v34 =	vimm.f32 $0.0e+00;
	v40 =	vimm.f32 $0.0e+00;
	v22 =	vld.idx.msk [tilespmem:v20+s17+$0xFFFFF400 ss:$0x1], $0xffff  }
0x71: {  	v23 =	vimm.f32 $0.0e+00;
	v28 =	vimm.f32 $0.0e+00;
	v43 =	vimm.f32 $0.0e+00;
	v18 =	vld.idx.msk [tilespmem:v20+s17+$0xFFFFF800 ss:$0x1], $0xffff  }
0x72: {  	v32 =	vimm.f32 $0.0e+00;
	v39 =	vimm.f32 $0.0e+00;
	v15 =	vld [tilespmem:s16+$0x20];
	v3 =	vmul.f32 v0, v6  }
0x73: {  	v38 =	vimm.f32 $0.0e+00;
	v2 =	vld.idx.msk [tilespmem:v20+s17+$0x0 ss:$0x1], $0xffff;
	v4 =	vmul.f32 v12, v6;
	v5 =	vmul.f32 v11, v6  }
0x74: {  	v30 =	vimm.f32 $0.0e+00;
	v16 =	vmul.f32 v9, v6;
	v7 =	vmul.f32 v10, v6  }
0x75: {  	v25 =	vimm.f32 $0.0e+00;
	v17 =	vmul.f32 v1, v6;
	v14 =	vmul.f32 v8, v22  }
0x76: {  	v42 =	vimm.f32 $0.0e+00;
	v44 =	vmul.f32 v9, v22;
	v45 =	vmul.f32 v8, v18  }
0x77: {  	v31 =	vimm.f32 $0.0e+00;
	v19 =	vmul.f32 v8, v6;
	v36 =	vmul.f32 v15, v6  }
0x78: {  	v41 =	vimm.f32 $0.0e+00;
	v8 =	vmul.f32 v8, v2;
	v26 =	vmul.f32 v9, v2  }
0x79: {  	v33 =	vimm.f32 $0.0e+00;
	v46 =	vmul.f32 v15, v22;
	v48 =	vmul.f32 v10, v18  }
0x7a: {  	v24 =	vimm.f32 $0.0e+00;
	v21 =	vmul.f32 v12, v2;
	v50 =	vmul.f32 v10, v22  }
0x7b: {  	v37 =	vmul.f32 v1, v18;
	v3 =	vadd.f32 v3, v13;
	v4 =	vadd.f32 v4, v13  }
0x7c: {  	v49 =	vmul.f32 v9, v18;
	v5 =	vadd.f32 v5, v13;
	v7 =	vadd.f32 v7, v13  }
0x7d: {  	v47 =	vmul.f32 v11, v2;
	v27 =	vadd.f32 v14, v13;
	v14 =	vadd.f32 v19, v13  }
0x7e: {  	v6 =	vadd.f32 v17, v13;
	v17 =	vmul.f32 v10, v2;
	v8 =	vadd.f32 v8, v13  }
0x7f: {  	v19 =	vadd.f32 v16, v13;
	v9 =	vadd.f32 v21, v13;
	v16 =	vimm.f32 $0.0e+00  }
0x80: {  	s16 =	simm.s32 $0x80;
	s17 =	simm.s32 $0x8190;
	v21 =	vimm.f32 $0.0e+00;
	v10 =	vadd.f32 v17, v13;
	v17 =	vimm.f32 $0.0e+00  }
.LBB2_7:
0x81: {  	s18 =	sshra.s32 s16, $0x2;
	v51 =	vld [tilespmem:s17+$0x40];
	p0 =	sne.s32 s16, $0xF80;
	s16 =	sadd.s32 $0x80, s16;
	v52 =	vmul.f32 v12, v22;
	v13 =	vadd.f32 v48, v13;
	v48 =	vmul.f32 v15, v2  }
0x82: {  	v54 =	vmul.f32 v11, v22;
	v53 =	vld [tilespmem:s17+$0xFFFFFFA0];
	v29 =	vadd.f32 v49, v29;
	v49 =	vmul.f32 v12, v18  }
0x83: {  	v34 =	vadd.f32 v45, v34;
	v45 =	vmul.f32 v11, v18;
	v55 =	vld.idx.msk [tilespmem:v20+s18+$0xFFFFFC00 ss:$0x1], $0xffff;
	v35 =	vadd.f32 v52, v35  }
0x84: {  	v40 =	vadd.f32 v50, v40;
	v17 =	vadd.f32 v47, v17;
	v47 =	vmul.f32 v0, v2;
	v12 =	vld [tilespmem:s17+$0xFFFFFFE0]  }
0x85: {  	v15 =	vmul.f32 v15, v18;
	v23 =	vadd.f32 v36, v23;
	v16 =	vadd.f32 v48, v16;
	v11 =	vld [tilespmem:s17+$0x0]  }
0x86: {  	v48 =	vmul.f32 v0, v22;
	v28 =	vadd.f32 v45, v28;
	v45 =	vmul.f32 v0, v18;
	v36 =	vld [tilespmem:s17+$0x60];
	v0 =	vmovc v51  }
0x87: {  	v43 =	vadd.f32 v44, v43;
	v44 =	vmul.f32 v1, v22;
	v32 =	vadd.f32 v49, v32;
	v50 =	vld [tilespmem:s17+$0xFFFFFF80]  }
0x88: {  	v39 =	vadd.f32 v46, v39;
	v1 =	vmul.f32 v1, v2;
	v38 =	vadd.f32 v48, v38;
	v49 =	vld [tilespmem:s17+$0xFFFFFFC0]  }
0x89: {  	v25 =	vadd.f32 v26, v25;
	v30 =	vadd.f32 v15, v30;
	v46 =	vmul.f32 v0, v55;
	v22 =	vld.idx.msk [tilespmem:v20+s18+$0xFFFFF400 ss:$0x1], $0xffff  }
0x8a: {  	v42 =	vadd.f32 v54, v42;
	v31 =	vadd.f32 v45, v31;
	v18 =	vld.idx.msk [tilespmem:v20+s18+$0xFFFFF800 ss:$0x1], $0xffff  }
0x8b: {  	v41 =	vadd.f32 v44, v41;
	v26 =	vmul.f32 v12, v55;
	v3 =	vadd.f32 v46, v3;
	v2 =	vld.idx.msk [tilespmem:v20+s18+$0x0 ss:$0x1], $0xffff  }
0x8c: {  	v33 =	vadd.f32 v37, v33;
	v21 =	vadd.f32 v1, v21;
	v45 =	vmul.f32 v11, v55;
	v1 =	vmovc v36;
	v15 =	vld [tilespmem:s17+$0x20]  }
0x8d: {  	v24 =	vadd.f32 v47, v24;
	v37 =	vmul.f32 v53, v55;
	v4 =	vadd.f32 v26, v4  }
0x8e: {  	v46 =	vmul.f32 v1, v55;
	v26 =	vmul.f32 v49, v55  }
0x8f: {  	v5 =	vadd.f32 v45, v5;
	v36 =	vmul.f32 v50, v22;
	v44 =	vmul.f32 v53, v22  }
0x90: {  	v47 =	vmul.f32 v50, v55;
	v45 =	vmul.f32 v50, v18;
	v7 =	vadd.f32 v26, v7  }
0x91: {  	v27 =	vadd.f32 v36, v27;
	v48 =	vmul.f32 v50, v2;
	v36 =	vmul.f32 v15, v55  }
.Ltmp2:
0x92: {  	v14 =	vadd.f32 v47, v14;
	v6 =	vadd.f32 v46, v6;
	v26 =	vmul.f32 v53, v2;
	(pc) =	sbr.rel @p0 .LBB2_7-.Ltmp2, $4  }
0x93: {  	v47 =	vmul.f32 v49, v2;
	v46 =	vmul.f32 v15, v22;
	v8 =	vadd.f32 v48, v8  }
0x94: {  	v19 =	vadd.f32 v37, v19;
	v51 =	vmul.f32 v12, v2;
	v48 =	vmul.f32 v49, v18  }
0x95: {  	v37 =	vmul.f32 v1, v18;
	v50 =	vmul.f32 v49, v22;
	v10 =	vadd.f32 v47, v10  }
0x96: {  	s17 =	sadd.s32 $0x100, s17;
	v49 =	vmul.f32 v53, v18;
	v9 =	vadd.f32 v51, v9;
	v47 =	vmul.f32 v11, v2  }
0x97: {  	s16 =	sshll.u32 s14, $0xA  }
0x98: {  	v43 =	vadd.f32 v44, v43;
	s16 =	sand.u32 $0x3FFFFC00, s16  }
0x99: {  	v40 =	vadd.f32 v50, v40;
	[tilespmem:s16+$0xA010] =	vst v27  }
0x9a: {  	v39 =	vadd.f32 v46, v39;
	[tilespmem:s16+$0xA030] =	vst v43  }
0x9b: {  	v46 =	vadd.f32 v45, v34;
	[tilespmem:s16+$0xA050] =	vst v40  }
0x9c: {  	v13 =	vadd.f32 v48, v13;
	[tilespmem:s16+$0xA0B0] =	vst v39  }
0x9d: {  	v57 =	vadd.f32 v37, v33;
	[tilespmem:s16+$0xA110] =	vst v46  }
0x9e: {  	[tilespmem:s16+$0xA150] =	vst v13  }
0x9f: {  	[tilespmem:s16+$0xA1F0] =	vst v57  }
0xa0: {  	[tilespmem:s16+$0xA210] =	vst v14  }
0xa1: {  	[tilespmem:s16+$0xA230] =	vst v19  }
0xa2: {  	[tilespmem:s16+$0xA250] =	vst v7  }
0xa3: {  	v58 =	vadd.f32 v36, v23;
	[tilespmem:s16+$0xA270] =	vst v4  }
0xa4: {  	[tilespmem:s16+$0xA290] =	vst v5  }
0xa5: {  	[tilespmem:s16+$0xA2B0] =	vst v58  }
0xa6: {  	[tilespmem:s16+$0xA2D0] =	vst v3  }
0xa7: {  	v59 =	vadd.f32 v26, v25;
	[tilespmem:s16+$0xA2F0] =	vst v6  }
0xa8: {  	[tilespmem:s16+$0xA310] =	vst v8  }
0xa9: {  	[tilespmem:s16+$0xA330] =	vst v59  }
0xaa: {  	v20 =	vmul.f32 v12, v22;
	v50 =	vadd.f32 v49, v29;
	[tilespmem:s16+$0xA350] =	vst v10  }
0xab: {  	v62 =	vmul.f32 v11, v22;
	v61 =	vadd.f32 v47, v17;
	[tilespmem:s16+$0xA370] =	vst v9  }
0xac: {  	v63 =	vmul.f32 v0, v22;
	v20 =	vadd.f32 v20, v35;
	[tilespmem:s16+$0xA130] =	vst v50  }
0xad: {  	v51 =	vmul.f32 v12, v18;
	v42 =	vadd.f32 v62, v42;
	[tilespmem:s16+$0xA390] =	vst v61  }
0xae: {  	v52 =	vmul.f32 v11, v18;
	v44 =	vadd.f32 v63, v38;
	[tilespmem:s16+$0xA070] =	vst v20  }
0xaf: {  	v53 =	vmul.f32 v15, v18;
	v12 =	vadd.f32 v51, v32;
	[tilespmem:s16+$0xA090] =	vst v42  }
0xb0: {  	v54 =	vmul.f32 v0, v18;
	v11 =	vadd.f32 v52, v28;
	[tilespmem:s16+$0xA0D0] =	vst v44  }
0xb1: {  	v60 =	vmul.f32 v15, v2;
	v55 =	vadd.f32 v53, v30;
	[tilespmem:s16+$0xA170] =	vst v12  }
0xb2: {  	s14 =	sadd.s32 $0x1, s14;
	v43 =	vmul.f32 v1, v22;
	v56 =	vadd.f32 v54, v31;
	[tilespmem:s16+$0xA190] =	vst v11  }
0xb3: {  	p0 =	sne.s32 s14, $0x8;
	v62 =	vmul.f32 v0, v2;
	v4 =	vadd.f32 v60, v16;
	[tilespmem:s16+$0xA1B0] =	vst v55  }
.Ltmp3:
0xb4: {  	v63 =	vmul.f32 v1, v2;
	v22 =	vadd.f32 v43, v41;
	[tilespmem:s16+$0xA1D0] =	vst v56;
	(pc) =	sbr.rel @p0 .LBB2_6-.Ltmp3, $4  }
0xb5: {  	v0 =	vadd.f32 v62, v24;
	[tilespmem:s16+$0xA3B0] =	vst v4  }
0xb6: {  	v1 =	vadd.f32 v63, v21;
	[tilespmem:s16+$0xA0F0] =	vst v22  }
0xb7: {  	[tilespmem:s16+$0xA3D0] =	vst v0  }
0xb8: {  	s15 =	sadd.s32 $0x1000, s15;
	[tilespmem:s16+$0xA3F0] =	vst v1  }
0xb9: {  	s13 =	sadd.s32 $0x1, s13  }
0xba: {  	p0 =	sne.s32 s13, s6  }
.Ltmp4:
0xbb: {  	_ = 	snop;
	(pc) =	sbr.rel @p0 .LBB2_1-.Ltmp4, $4  }
0xbc: {  	[hbm4b:s5+s7] =	stream.strided.scatter [tilespmem:s11], [sflag:$0x2], $0x2000, s8, s7, $0x38;
	[tilespmem:$0xC000] =	vst v63  }
0xbd: {  	_ =	swait.ge [sflag:s12], $0x2000  }
0xbe: {  	[sflag:s12] =	ssyncset.done $0x0  }
0xbf: {  	[sflag:s12] =	ssyncadd.s32 $0xFFFFE000  }
0xc0: {  	_ =	sfence.sel $0x180000  }
0xc1: {  	[bflag:$0x0] =	sbarrier.arrive $0xFFFF  }
0xc2: {  	p0 =	sne.s32 s1, $0x0;
	_ =	strace $0x90000047  }
0xc3: {  	s0 =	sadd.s32 @!p0 $0x100000, s0;
	[bflag:$0x2] =	sbarrier.arrive $0xFFFF  }
0xc4: {  	[sflag:s0] =	ssyncadd.tile.s32 @!p0 $0x1;
	_ =	shalt  }
.Lfunc_end2:
_tile_overlayer_lowered:
.L_overlay_start_2:
0xc5: {  	(tag) =	ssettag $0x2  }
0xc6: {  	s0 =	rddreg [dreg:$0x0];
	s2 =	stileid.u32  }
0xc7: {  	s1 =	rddreg [dreg:$0x1];
	p0 =	sne.s32 s2, $0x0  }
0xc8: {  	s3 =	rddreg [dreg:$0x2];
	[bflag:$0x3] =	sbarrier.arrive $0xFFFF;
	s2 =	simm.s32 @!p0 $0x1C02  }
0xc9: {  	[timem:s3], [sflag:s2] =	dma.local @!p0 [hbm:s0], s1  }
0xca: {  	s0 =	simm.s32 @!p0 $0x2  }
0xcb: {  	_ =	swait.ge @!p0 [sflag:s0], s1  }
0xcc: {  	s1 =	ssub.s32 @!p0 $0x0, s1;
	[sflag:s0] =	ssyncset.done @!p0 $0x0  }
0xcd: {  	[sflag:s0] =	ssyncadd.s32 @!p0 s1  }
0xce: {  	[bflag:$0x3] =	sbarrier.arrive $0xFFFF  }
0xcf: {  	_ =	shalt  }

</sc_bundles>
